<compile_context>
chip_gen: v7x
topology: tpu7x:2x2x1
jax: 0.10.2.dev20260603
libtpu: 0.0.44.dev20260713+nightly
codegen_flags: <defaults>
</compile_context>

<pallas_src>
import functools

import jax
import jax.numpy as jnp
from jax import lax
from jax.experimental import pallas as pl
from jax.experimental.pallas import tpu as pltpu
from jax.experimental.pallas import tpu_sc as plsc

B = 4096
IN = 128
H = 128
R = 8
MPHY = 4
K = 1024
D = 256
TAU = 1.0
BPS = 2
KBITS = 10
TEMP_MOD = 0.5

TB = 256
NBLK = B // TB
TBR = 512
NBLKR = B // TBR
TB2 = 256
NB2 = B // TB2 + R
NROWS = NB2 * TB2
TH = 64
KC = 128
XSW = 128


def _router_kernel(phi_ref, ln_g_ref, ln_b_ref, W1_ref, b1_ref,
                   W2_ref, b2_ref, We_ref, be_ref, Wm_ref, bm_ref,
                   jp_ref, mi_ref, gate_ref, ex_ref, pos_ref, cnt_ref,
                   run_scr):
    @pl.when(pl.program_id(0) == 0)
    def _():
        run_scr[...] = jnp.zeros((1, R), jnp.float32)

    phi = phi_ref[...]
    mu = jnp.mean(phi, axis=-1, keepdims=True)
    var = jnp.mean((phi - mu) ** 2, axis=-1, keepdims=True)
    phin = (phi - mu) / jnp.sqrt(var + 1e-5) * ln_g_ref[...] + ln_b_ref[...]
    h = jax.nn.gelu(jnp.dot(phin, W1_ref[...]) + b1_ref[...])
    h = jax.nn.gelu(jnp.dot(h, W2_ref[...]) + b2_ref[...])
    logits_e = jnp.dot(h, We_ref[...]) + be_ref[...]
    logits_m = jnp.dot(h, Wm_ref[...]) + bm_ref[...]
    p_e = jax.nn.softmax(logits_e / TAU, axis=-1)
    p_m = jax.nn.softmax(logits_m / TAU, axis=-1)
    jl = jnp.concatenate(
        [logits_e[:, e:e + 1] + logits_m for e in range(R)], axis=1)
    jp = jnp.concatenate(
        [p_e[:, e:e + 1] * p_m for e in range(R)], axis=1)
    iota_j = lax.broadcasted_iota(jnp.int32, (TBR, R * MPHY), 1)
    jl_max = jnp.max(jl, axis=-1, keepdims=True)
    mi = jnp.min(jnp.where(jl == jl_max, iota_j, R * MPHY), axis=-1,
                 keepdims=True)
    gate = jnp.sum(jnp.where(iota_j == mi, jp, 0.0), axis=-1, keepdims=True)
    expert = mi // MPHY

    jp_ref[...] = jp
    mi_ref[...] = mi
    gate_ref[...] = gate
    ex_ref[...] = expert

    iota_e = lax.broadcasted_iota(jnp.int32, (TBR, R), 1)
    oh = (expert == iota_e)
    oh_f = oh.astype(jnp.float32)
    r_i = lax.broadcasted_iota(jnp.int32, (TBR, TBR), 0)
    c_i = lax.broadcasted_iota(jnp.int32, (TBR, TBR), 1)
    ltri = (c_i <= r_i).astype(jnp.float32)
    ranks = jnp.dot(ltri, oh_f)
    cnt_blk = ranks[TBR - 1:TBR, :]
    run_row = run_scr[...]
    pick_rank = jnp.sum(jnp.where(oh, ranks, 0.0), axis=1, keepdims=True)
    pick_run = jnp.sum(jnp.where(oh, run_row, 0.0), axis=1, keepdims=True)
    pos = pick_run + pick_rank - 1.0
    pos_ref[...] = pos.astype(jnp.int32)
    new_run = run_row + cnt_blk
    run_scr[...] = new_run
    cnt_ref[...] = new_run.astype(jnp.int32)


def _router(phi, ln_g, ln_b, W1, b1, W2, b2, We, be, Wm, bm):
    const_spec = lambda shape: pl.BlockSpec(shape, lambda i: (0, 0))
    tok_spec = lambda shape: pl.BlockSpec(shape, lambda i: (i, 0))
    return pl.pallas_call(
        _router_kernel,
        grid=(NBLKR,),
        in_specs=[
            tok_spec((TBR, IN)),
            const_spec((1, IN)),
            const_spec((1, IN)),
            const_spec((IN, H)),
            const_spec((1, H)),
            const_spec((H, H)),
            const_spec((1, H)),
            const_spec((H, R)),
            const_spec((1, R)),
            const_spec((H, MPHY)),
            const_spec((1, MPHY)),
        ],
        out_specs=[
            tok_spec((TBR, R * MPHY)),
            tok_spec((TBR, 1)),
            tok_spec((TBR, 1)),
            tok_spec((TBR, 1)),
            tok_spec((TBR, 1)),
            pl.BlockSpec((1, R), lambda i: (0, 0)),
        ],
        out_shape=[
            jax.ShapeDtypeStruct((B, R * MPHY), jnp.float32),
            jax.ShapeDtypeStruct((B, 1), jnp.int32),
            jax.ShapeDtypeStruct((B, 1), jnp.float32),
            jax.ShapeDtypeStruct((B, 1), jnp.int32),
            jax.ShapeDtypeStruct((B, 1), jnp.int32),
            jax.ShapeDtypeStruct((1, R), jnp.int32),
        ],
        scratch_shapes=[pltpu.VMEM((1, R), jnp.float32)],
    )(phi, ln_g.reshape(1, IN), ln_b.reshape(1, IN), W1, b1.reshape(1, H),
      W2, b2.reshape(1, H), We, be.reshape(1, R), Wm, bm.reshape(1, MPHY))


def _norms_kernel(cb_ref, nc_ref):
    for e in range(R):
        cbe = cb_ref[e * K:(e + 1) * K, :]
        nc_ref[0:1, e * K:(e + 1) * K] = jnp.sum(cbe * cbe, axis=-1)[None, :]


def _norms(cb_flat):
    return pl.pallas_call(
        _norms_kernel,
        out_shape=jax.ShapeDtypeStruct((1, R * K), jnp.float32),
    )(cb_flat)


def _vq_kernel(eb_ref, act_ref, z_ref, cb_ref, nc_ref, T_ref, zq_ref, xs_ref):
  @pl.when(act_ref[pl.program_id(0)] == 1)
  def _active_body():
    z = z_ref[...]
    rn = jnp.sum(z * z, axis=-1, keepdims=True)
    cbe = cb_ref[...].reshape(K, D)
    nce = nc_ref[...].reshape(1, K)
    mm = lax.dot_general(z, cbe, (((1,), (1,)), ((), ())))
    lane = lax.broadcasted_iota(jnp.int32, (TH, KC), 1)
    nh = TB2 // TH
    outs = []
    for hh in range(nh):
        sl = slice(hh * TH, (hh + 1) * TH)
        rnh = rn[sl]
        rmin = None
        for c in range(K // KC):
            mmc = mm[sl, c * KC:(c + 1) * KC]
            ncc = nce[:, c * KC:(c + 1) * KC]
            dm = (rnh - 2.0 * mmc) + ncc
            if c == 0:
                rmin = dm
                ridx = jnp.zeros((TH, KC), jnp.int32)
            else:
                upd = dm < rmin
                ridx = jnp.where(upd, c, ridx)
                rmin = jnp.where(upd, dm, rmin)
        tmin = jnp.min(rmin, axis=-1, keepdims=True)
        fidx = ridx * KC + lane
        isel = jnp.min(jnp.where(rmin == tmin, fidx, K), axis=-1,
                       keepdims=True)
        outs.append(isel)
    code = jnp.concatenate(outs, axis=0)

    iota_full = lax.broadcasted_iota(jnp.int32, (TB2, K), 1)
    ohq = (iota_full == code).astype(jnp.float32)
    zq_ref[...] = jnp.dot(ohq, cbe)

    cols = []
    for s in range(KBITS // BPS):
        pr = jnp.bitwise_and(
            lax.shift_right_logical(code, KBITS - BPS - BPS * s), 3)
        for c in range(2):
            v = jnp.where(pr == 0, T_ref[0, c],
                jnp.where(pr == 1, T_ref[1, c],
                jnp.where(pr == 2, T_ref[2, c], T_ref[3, c])))
            cols.append(v)
    cols.append(jnp.zeros((TB2, XSW - 2 * (KBITS // BPS)), jnp.float32))
    xs_ref[...] = jnp.concatenate(cols, axis=1)


def _vq(e_of_blk, act_blk, z_disp, cb3, nc3, T):
    grid_spec = pltpu.PrefetchScalarGridSpec(
        num_scalar_prefetch=2,
        grid=(NB2,),
        in_specs=[
            pl.BlockSpec((TB2, D), lambda i, eb, act: (i * act[i], 0)),
            pl.BlockSpec((1, K, D), lambda i, eb, act: (eb[i], 0, 0)),
            pl.BlockSpec((1, 1, K), lambda i, eb, act: (eb[i], 0, 0)),
            pl.BlockSpec((4, 2), lambda i, eb, act: (0, 0)),
        ],
        out_specs=[
            pl.BlockSpec((TB2, D), lambda i, eb, act: (i, 0)),
            pl.BlockSpec((TB2, XSW), lambda i, eb, act: (i, 0)),
        ],
    )
    return pl.pallas_call(
        _vq_kernel,
        grid_spec=grid_spec,
        out_shape=[
            jax.ShapeDtypeStruct((NROWS, D), jnp.float32),
            jax.ShapeDtypeStruct((NROWS, XSW), jnp.float32),
        ],
    )(e_of_blk, act_blk, z_disp, cb3, nc3, T)


def _sc_info():
    info = plsc.get_sparse_core_info()
    return info.num_cores, info.num_subcores


def _sc_dispatch(z, slot):
    nc, ns = _sc_info()
    nw = nc * ns
    bpw = B // nw
    mesh = plsc.VectorSubcoreMesh(core_axis_name="c", subcore_axis_name="s")

    @functools.partial(
        pl.kernel,
        out_type=jax.ShapeDtypeStruct((NROWS, D), jnp.float32),
        mesh=mesh,
        scratch_types=[
            pltpu.VMEM((bpw,), jnp.int32),
            pltpu.VMEM((bpw, D), jnp.float32),
            pltpu.SemaphoreType.DMA,
        ],
    )
    def disp_k(z_hbm, slot_hbm, out_hbm, slot_v, rows_v, sem):
        wid = lax.axis_index("s") * nc + lax.axis_index("c")
        base = wid * bpw
        pltpu.sync_copy(slot_hbm.at[pl.ds(base, bpw)], slot_v)
        pltpu.sync_copy(z_hbm.at[pl.ds(base, bpw)], rows_v)
        pltpu.async_copy(rows_v, out_hbm.at[slot_v], sem).wait()

    return disp_k(z, slot)


def _sc_undispatch(zq_disp, xsd, slot):
    nc, ns = _sc_info()
    nw = nc * ns
    bpw = B // nw
    mesh = plsc.VectorSubcoreMesh(core_axis_name="c", subcore_axis_name="s")

    @functools.partial(
        pl.kernel,
        out_type=[
            jax.ShapeDtypeStruct((B, D), jnp.float32),
            jax.ShapeDtypeStruct((B, XSW), jnp.float32),
        ],
        mesh=mesh,
        scratch_types=[
            pltpu.VMEM((bpw,), jnp.int32),
            pltpu.VMEM((bpw, D), jnp.float32),
            pltpu.VMEM((bpw, XSW), jnp.float32),
            pltpu.SemaphoreType.DMA,
            pltpu.SemaphoreType.DMA,
        ],
    )
    def und_k(zqd_hbm, xsd_hbm, slot_hbm, zq_hbm, xss_hbm,
              slot_v, rows_v, xsr_v, sem, sem2):
        wid = lax.axis_index("s") * nc + lax.axis_index("c")
        base = wid * bpw
        pltpu.sync_copy(slot_hbm.at[pl.ds(base, bpw)], slot_v)
        a = pltpu.async_copy(zqd_hbm.at[slot_v], rows_v, sem)
        b = pltpu.async_copy(xsd_hbm.at[slot_v], xsr_v, sem2)
        a.wait()
        pltpu.sync_copy(rows_v, zq_hbm.at[pl.ds(base, bpw)])
        b.wait()
        pltpu.sync_copy(xsr_v, xss_hbm.at[pl.ds(base, bpw)])

    return und_k(zq_disp, xsd, slot)


def _combine_kernel(z_ref, zq_ref, xss_ref, gate_ref, out_ref, xs_ref):
    z = z_ref[...]
    zq = zq_ref[...]
    out_ref[...] = (z + (zq - z)) * gate_ref[...]
    xs_ref[...] = xss_ref[:, 0:2 * (KBITS // BPS)]


def _combine(z, zq_s, xs_s, gate):
    tok_spec = lambda shape: pl.BlockSpec(shape, lambda i: (i, 0))
    return pl.pallas_call(
        _combine_kernel,
        grid=(NBLK,),
        in_specs=[
            tok_spec((TB, D)),
            tok_spec((TB, D)),
            tok_spec((TB, XSW)),
            tok_spec((TB, 1)),
        ],
        out_specs=[tok_spec((TB, D)), tok_spec((TB, 2 * (KBITS // BPS)))],
        out_shape=[
            jax.ShapeDtypeStruct((B, D), jnp.float32),
            jax.ShapeDtypeStruct((B, 2 * (KBITS // BPS)), jnp.float32),
        ],
    )(z, zq_s, xs_s, gate)


def _int_to_bits(x, num_bits):
    shifts = jnp.arange(num_bits - 1, -1, -1)
    return ((x[..., None] >> shifts) & 1).astype(jnp.float32)


def _qam_table():
    import numpy as np
    m_side = int(np.sqrt(1 << BPS))
    levels = jnp.arange(-(m_side - 1), m_side + 1, 2).astype(jnp.float32)
    xs, ys = jnp.meshgrid(levels, levels, indexing='ij')
    pts = jnp.stack([xs.reshape(-1), ys.reshape(-1)], axis=-1)
    max_power = (pts ** 2).sum(axis=-1).max()
    const = pts / jnp.sqrt(max_power + 1e-9)
    cand_bits = _int_to_bits(jnp.arange(1 << BPS), BPS)
    patt = cand_bits
    d_bits = ((patt[:, None, :] - cand_bits[None, :, :]) ** 2).sum(axis=-1)
    w_sym = jax.nn.softmax(-d_bits / max(TEMP_MOD, 1e-6), axis=1)
    return w_sym @ const


def kernel(z, phi, ln_g, ln_b, W1, b1, W2, b2, We, be, Wm, bm, codebooks):
    cb_flat = codebooks.reshape(R * K, D)
    T = _qam_table()

    jp, mi, gate, ex2, pos2, cnt2 = _router(phi, ln_g, ln_b, W1, b1, W2, b2,
                                            We, be, Wm, bm)

    counts = cnt2.reshape(R)
    nblk_e = (counts + TB2 - 1) // TB2
    cum_nblk = jnp.cumsum(nblk_e)
    blk_off = cum_nblk - nblk_e
    e_of_blk = jnp.minimum(
        jnp.sum((jnp.arange(NB2)[:, None] >= cum_nblk[None, :]).astype(
            jnp.int32), axis=1), R - 1).astype(jnp.int32)
    seg_start = (blk_off * TB2).astype(jnp.int32)
    act_blk = (jnp.arange(NB2) < cum_nblk[R - 1]).astype(jnp.int32)
    expert = ex2.reshape(B)
    slot = jnp.take(seg_start, expert) + pos2.reshape(B)

    z_disp = _sc_dispatch(z, slot)
    nc = _norms(cb_flat)
    zq_disp, xsd = _vq(e_of_blk, act_blk, z_disp, codebooks,
                       nc.reshape(R, 1, K), T)
    zq_s, xs_s = _sc_undispatch(zq_disp, xsd, slot)
    out, xs = _combine(z, zq_s, xs_s, gate)
    x_sym = xs.reshape(B, KBITS // BPS, 2)
    return (out, x_sym, jp, mi.reshape(B))

# --- scband reference (transcript-rebuilt; emitter-appended) ---
"""Pipeline reference for scband-mo-etransceiver-vq-54090818126069 (READ-ONLY COPY).

The authoritative reference and input builder live on the scoring server;
editing this copy changes nothing except your own understanding.
"""

import jax, jax.numpy as jnp
import numpy as np

B = 4096      # tokens (batch*seq = 2*2048)
IN = 128      # phi (channel-state feature) dim
H = 128       # router hidden dim
R = 8         # num VQ experts
MPHY = 4      # num PHY modes
K = 1024      # codes per expert
D = 256       # code_dim
TAU = 1.0     # router temperature
BPS = 2       # bits per symbol (QPSK)
KBITS = 10    # ceil(log2(K))
TEMP_MOD = 0.5  # soft modulation temperature


def int_to_bits(x, num_bits):
    shifts = jnp.arange(num_bits - 1, -1, -1)
    return ((x[..., None] >> shifts) & 1).astype(jnp.float32)


def qam_constellation(M):
    m_side = int(np.sqrt(M))
    levels = jnp.arange(-(m_side - 1), m_side + 1, 2).astype(jnp.float32)
    xs, ys = jnp.meshgrid(levels, levels, indexing='ij')
    pts = jnp.stack([xs.reshape(-1), ys.reshape(-1)], axis=-1)
    max_power = (pts ** 2).sum(axis=-1).max()
    return pts / jnp.sqrt(max_power + 1e-9)


def setup_inputs(seed: int = 0):
    key = jax.random.key(seed)
    ks = jax.random.split(key, 8)
    z = jax.random.normal(ks[0], (B, D), dtype=jnp.float32)
    phi = jax.random.normal(ks[1], (B, IN), dtype=jnp.float32)
    ln_g = jnp.ones((IN,), dtype=jnp.float32)
    ln_b = jnp.zeros((IN,), dtype=jnp.float32)
    W1 = jax.random.normal(ks[2], (IN, H), dtype=jnp.float32) / np.sqrt(IN)
    b1 = jnp.zeros((H,), dtype=jnp.float32)
    W2 = jax.random.normal(ks[3], (H, H), dtype=jnp.float32) / np.sqrt(H)
    b2 = jnp.zeros((H,), dtype=jnp.float32)
    We = jax.random.normal(ks[4], (H, R), dtype=jnp.float32) / np.sqrt(H)
    be = jnp.zeros((R,), dtype=jnp.float32)
    Wm = jax.random.normal(ks[5], (H, MPHY), dtype=jnp.float32) / np.sqrt(H)
    bm = jnp.zeros((MPHY,), dtype=jnp.float32)
    codebooks = jax.random.normal(ks[6], (R, K, D), dtype=jnp.float32) * 0.02
    return {'z': z, 'phi': phi, 'ln_g': ln_g, 'ln_b': ln_b, 'W1': W1, 'b1': b1,
            'W2': W2, 'b2': b2, 'We': We, 'be': be, 'Wm': Wm, 'bm': bm,
            'codebooks': codebooks}


def reference(z, phi, ln_g, ln_b, W1, b1, W2, b2, We, be, Wm, bm, codebooks):
    nB = z.shape[0]
    # ---- ModeRouter ----
    mu = phi.mean(axis=-1, keepdims=True)
    var = phi.var(axis=-1, keepdims=True)
    phin = (phi - mu) / jnp.sqrt(var + 1e-5) * ln_g + ln_b
    h = jax.nn.gelu(phin @ W1 + b1)
    h = jax.nn.gelu(h @ W2 + b2)
    logits_e = h @ We + be
    logits_m = h @ Wm + bm
    p_e = jax.nn.softmax(logits_e / TAU, axis=-1)
    p_m = jax.nn.softmax(logits_m / TAU, axis=-1)
    joint_logits = (logits_e[:, :, None] + logits_m[:, None, :]).reshape(nB, R * MPHY)
    joint_probs = (p_e[:, :, None] * p_m[:, None, :]).reshape(nB, R * MPHY)
    # ---- select joint mode, split (JointModeMapper) ----
    mode_idx = jnp.argmax(joint_logits, axis=-1)
    expert_idx = mode_idx // MPHY
    # ---- VQ expert quantization (masked over flattened codebooks) ----
    cb_flat = codebooks.reshape(R * K, D)
    dist = (z ** 2).sum(axis=-1, keepdims=True) - 2.0 * (z @ cb_flat.T) + (cb_flat ** 2).sum(axis=-1)[None, :]
    owner = jnp.arange(R * K)[None, :] // K
    dist_masked = jnp.where(owner == expert_idx[:, None], dist, jnp.inf)
    idx_flat = jnp.argmin(dist_masked, axis=-1)
    z_q = jnp.take(cb_flat, idx_flat, axis=0)
    # straight-through + gate by selected joint prob
    z_q_st = z + jax.lax.stop_gradient(z_q - z)
    gate = jnp.take_along_axis(joint_probs, mode_idx[:, None], axis=1)
    out = z_q_st * gate
    # ---- PHY: code indices -> bits -> soft QAM symbols ----
    code_idx = idx_flat % K
    bits = int_to_bits(code_idx, KBITS)
    n_sym = KBITS // BPS
    soft_bits = bits.reshape(-1, BPS)
    M = 1 << BPS
    const = qam_constellation(M)
    cand_bits = int_to_bits(jnp.arange(M), BPS)
    d_bits = ((soft_bits[:, None, :] - cand_bits[None, :, :]) ** 2).sum(axis=-1)
    w_sym = jax.nn.softmax(-d_bits / max(TEMP_MOD, 1e-6), axis=1)
    x_sym = (w_sym @ const).reshape(nB, n_sym, 2)
    return (out, x_sym, joint_probs, mode_idx)

if __name__ == "__main__":
    import jax
    _d = setup_inputs()
    print(jax.jit(kernel)(*tuple(_d.values())))

</pallas_src>

<mosaic_0001>
#map = affine_map<(d0, d1) -> (0, 0)>
#map1 = affine_map<(d0, d1) -> (0)>
module attributes {stable_mosaic.version = 14 : i64} {
  func.func @disp_k(%arg0: i32, %arg1: i32, %arg2: memref<4096x256xf32, #tpu.memory_space<hbm>>, %arg3: memref<4096xi32, #tpu.memory_space<hbm>>, %arg4: memref<6144x256xf32, #tpu.memory_space<hbm>>, %arg5: memref<128xi32, #tpu.memory_space<vmem>>, %arg6: memref<128x256xf32, #tpu.memory_space<vmem>>, %arg7: memref<!tpu.dma_semaphore, #tpu.memory_space<semaphore_mem>>) attributes {dimension_semantics = [#tpu.dimension_semantics<core_parallel>, #tpu.dimension_semantics<subcore_parallel>], iteration_bounds = array<i64: 2, 16>, scalar_prefetch = 0 : i64, scratch_operands = 3 : i64, tpu.core_type = #tpu.core_type<sc_vector_subcore>, window_params = [{transform_indices = #map}, {transform_indices = #map1}, {transform_indices = #map}]} {
    %mul3A = arith.constant 2 : i32
    %mul3A_0 = arith.muli %arg1, %mul3A : i32
    %add3A = arith.addi %mul3A_0, %arg0 : i32
    %mul3A_1 = arith.constant 128 : i32
    %mul3A_2 = arith.muli %add3A, %mul3A_1 : i32
    "tpu.region"() ({
      %run_scoped3A = tpu.sem_alloc : memref<!tpu.dma_semaphore, #tpu.memory_space<semaphore_mem>>
      %dma_start3A_7 = tpu.memref_slice %arg3[%mul3A_2] : memref<4096xi32, #tpu.memory_space<hbm>> -> memref<128xi32, #tpu.memory_space<hbm>>
      %dma_start3A_8 = tpu.memref_slice %arg3[%mul3A_2] : memref<4096xi32, #tpu.memory_space<hbm>> -> memref<128xi32, #tpu.memory_space<hbm>>
      tpu.enqueue_dma source(%dma_start3A_8 : memref<128xi32, #tpu.memory_space<hbm>>) target(%arg5 : memref<128xi32, #tpu.memory_space<vmem>>) target_semaphore(%run_scoped3A : memref<!tpu.dma_semaphore, #tpu.memory_space<semaphore_mem>>)
      %dma_wait3A_9 = tpu.memref_slice %arg3[%mul3A_2] : memref<4096xi32, #tpu.memory_space<hbm>> -> memref<128xi32, #tpu.memory_space<hbm>>
      %dma_wait3A_10 = tpu.memref_slice %arg3[%mul3A_2] : memref<4096xi32, #tpu.memory_space<hbm>> -> memref<128xi32, #tpu.memory_space<hbm>>
      tpu.wait_dma2 semaphore(%run_scoped3A : memref<!tpu.dma_semaphore, #tpu.memory_space<semaphore_mem>>) src(%dma_wait3A_10 : memref<128xi32, #tpu.memory_space<hbm>>) dst(%arg5 : memref<128xi32, #tpu.memory_space<vmem>>)
      tpu.yield
    }) : () -> ()
    "tpu.region"() ({
      %run_scoped3A = tpu.sem_alloc : memref<!tpu.dma_semaphore, #tpu.memory_space<semaphore_mem>>
      %dma_start3A_7 = arith.constant 0 : i32
      %dma_start3A_8 = tpu.memref_slice %arg2[%mul3A_2, %dma_start3A_7] : memref<4096x256xf32, #tpu.memory_space<hbm>> -> memref<128x256xf32, #tpu.memory_space<hbm>>
      %dma_start3A_9 = arith.constant 0 : i32
      %dma_start3A_10 = tpu.memref_slice %arg2[%mul3A_2, %dma_start3A_9] : memref<4096x256xf32, #tpu.memory_space<hbm>> -> memref<128x256xf32, #tpu.memory_space<hbm>>
      tpu.enqueue_dma source(%dma_start3A_10 : memref<128x256xf32, #tpu.memory_space<hbm>>) target(%arg6 : memref<128x256xf32, #tpu.memory_space<vmem>>) target_semaphore(%run_scoped3A : memref<!tpu.dma_semaphore, #tpu.memory_space<semaphore_mem>>)
      %dma_wait3A_11 = arith.constant 0 : i32
      %dma_wait3A_12 = tpu.memref_slice %arg2[%mul3A_2, %dma_wait3A_11] : memref<4096x256xf32, #tpu.memory_space<hbm>> -> memref<128x256xf32, #tpu.memory_space<hbm>>
      %dma_wait3A_13 = arith.constant 0 : i32
      %dma_wait3A_14 = tpu.memref_slice %arg2[%mul3A_2, %dma_wait3A_13] : memref<4096x256xf32, #tpu.memory_space<hbm>> -> memref<128x256xf32, #tpu.memory_space<hbm>>
      tpu.wait_dma2 semaphore(%run_scoped3A : memref<!tpu.dma_semaphore, #tpu.memory_space<semaphore_mem>>) src(%dma_wait3A_14 : memref<128x256xf32, #tpu.memory_space<hbm>>) dst(%arg6 : memref<128x256xf32, #tpu.memory_space<vmem>>)
      tpu.yield
    }) : () -> ()
    %dma_start3A = arith.constant 0 : i32
    %dma_start3A_3 = arith.constant 0 : i32
    %dma_start3A_4 = tpu.memref_slice %arg4[%dma_start3A, %dma_start3A_3] : memref<6144x256xf32, #tpu.memory_space<hbm>> -> memref<6144x256xf32, #tpu.memory_space<hbm>>
    tpu.enqueue_indirect_dma source(%arg6 : memref<128x256xf32, #tpu.memory_space<vmem>>) target(%dma_start3A_4 : memref<6144x256xf32, #tpu.memory_space<hbm>>) offsets(%arg5 : memref<128xi32, #tpu.memory_space<vmem>>) semaphore(%arg7 : memref<!tpu.dma_semaphore, #tpu.memory_space<semaphore_mem>>)
    %dma_wait3A = arith.constant 0 : i32
    %dma_wait3A_5 = arith.constant 0 : i32
    %dma_wait3A_6 = tpu.memref_slice %arg4[%dma_wait3A, %dma_wait3A_5] : memref<6144x256xf32, #tpu.memory_space<hbm>> -> memref<6144x256xf32, #tpu.memory_space<hbm>>
    tpu.wait_indirect_dma semaphore(%arg7 : memref<!tpu.dma_semaphore, #tpu.memory_space<semaphore_mem>>) src(%arg6 : memref<128x256xf32, #tpu.memory_space<vmem>>) dst(%dma_wait3A_6 : memref<6144x256xf32, #tpu.memory_space<hbm>>)
    return
  }
}

#map = affine_map<(d0, d1) -> (0, 0)>
#map1 = affine_map<(d0, d1) -> (0)>
module attributes {stable_mosaic.version = 14 : i64} {
  func.func @und_k(%arg0: i32, %arg1: i32, %arg2: memref<6144x256xf32, #tpu.memory_space<hbm>>, %arg3: memref<6144x128xf32, #tpu.memory_space<hbm>>, %arg4: memref<4096xi32, #tpu.memory_space<hbm>>, %arg5: memref<4096x256xf32, #tpu.memory_space<hbm>>, %arg6: memref<4096x128xf32, #tpu.memory_space<hbm>>, %arg7: memref<128xi32, #tpu.memory_space<vmem>>, %arg8: memref<128x256xf32, #tpu.memory_space<vmem>>, %arg9: memref<128x128xf32, #tpu.memory_space<vmem>>, %arg10: memref<!tpu.dma_semaphore, #tpu.memory_space<semaphore_mem>>, %arg11: memref<!tpu.dma_semaphore, #tpu.memory_space<semaphore_mem>>) attributes {dimension_semantics = [#tpu.dimension_semantics<core_parallel>, #tpu.dimension_semantics<subcore_parallel>], iteration_bounds = array<i64: 2, 16>, scalar_prefetch = 0 : i64, scratch_operands = 5 : i64, tpu.core_type = #tpu.core_type<sc_vector_subcore>, window_params = [{transform_indices = #map}, {transform_indices = #map}, {transform_indices = #map1}, {transform_indices = #map}, {transform_indices = #map}]} {
    %mul3A = arith.constant 2 : i32
    %mul3A_0 = arith.muli %arg1, %mul3A : i32
    %add3A = arith.addi %mul3A_0, %arg0 : i32
    %mul3A_1 = arith.constant 128 : i32
    %mul3A_2 = arith.muli %add3A, %mul3A_1 : i32
    "tpu.region"() ({
      %run_scoped3A = tpu.sem_alloc : memref<!tpu.dma_semaphore, #tpu.memory_space<semaphore_mem>>
      %dma_start3A_13 = tpu.memref_slice %arg4[%mul3A_2] : memref<4096xi32, #tpu.memory_space<hbm>> -> memref<128xi32, #tpu.memory_space<hbm>>
      %dma_start3A_14 = tpu.memref_slice %arg4[%mul3A_2] : memref<4096xi32, #tpu.memory_space<hbm>> -> memref<128xi32, #tpu.memory_space<hbm>>
      tpu.enqueue_dma source(%dma_start3A_14 : memref<128xi32, #tpu.memory_space<hbm>>) target(%arg7 : memref<128xi32, #tpu.memory_space<vmem>>) target_semaphore(%run_scoped3A : memref<!tpu.dma_semaphore, #tpu.memory_space<semaphore_mem>>)
      %dma_wait3A_15 = tpu.memref_slice %arg4[%mul3A_2] : memref<4096xi32, #tpu.memory_space<hbm>> -> memref<128xi32, #tpu.memory_space<hbm>>
      %dma_wait3A_16 = tpu.memref_slice %arg4[%mul3A_2] : memref<4096xi32, #tpu.memory_space<hbm>> -> memref<128xi32, #tpu.memory_space<hbm>>
      tpu.wait_dma2 semaphore(%run_scoped3A : memref<!tpu.dma_semaphore, #tpu.memory_space<semaphore_mem>>) src(%dma_wait3A_16 : memref<128xi32, #tpu.memory_space<hbm>>) dst(%arg7 : memref<128xi32, #tpu.memory_space<vmem>>)
      tpu.yield
    }) : () -> ()
    %dma_start3A = arith.constant 0 : i32
    %dma_start3A_3 = arith.constant 0 : i32
    %dma_start3A_4 = tpu.memref_slice %arg2[%dma_start3A, %dma_start3A_3] : memref<6144x256xf32, #tpu.memory_space<hbm>> -> memref<6144x256xf32, #tpu.memory_space<hbm>>
    tpu.enqueue_indirect_dma source(%dma_start3A_4 : memref<6144x256xf32, #tpu.memory_space<hbm>>) target(%arg8 : memref<128x256xf32, #tpu.memory_space<vmem>>) offsets(%arg7 : memref<128xi32, #tpu.memory_space<vmem>>) semaphore(%arg10 : memref<!tpu.dma_semaphore, #tpu.memory_space<semaphore_mem>>)
    %dma_start3A_5 = arith.constant 0 : i32
    %dma_start3A_6 = arith.constant 0 : i32
    %dma_start3A_7 = tpu.memref_slice %arg3[%dma_start3A_5, %dma_start3A_6] : memref<6144x128xf32, #tpu.memory_space<hbm>> -> memref<6144x128xf32, #tpu.memory_space<hbm>>
    tpu.enqueue_indirect_dma source(%dma_start3A_7 : memref<6144x128xf32, #tpu.memory_space<hbm>>) target(%arg9 : memref<128x128xf32, #tpu.memory_space<vmem>>) offsets(%arg7 : memref<128xi32, #tpu.memory_space<vmem>>) semaphore(%arg11 : memref<!tpu.dma_semaphore, #tpu.memory_space<semaphore_mem>>)
    %dma_wait3A = arith.constant 0 : i32
    %dma_wait3A_8 = arith.constant 0 : i32
    %dma_wait3A_9 = tpu.memref_slice %arg2[%dma_wait3A, %dma_wait3A_8] : memref<6144x256xf32, #tpu.memory_space<hbm>> -> memref<6144x256xf32, #tpu.memory_space<hbm>>
    tpu.wait_indirect_dma semaphore(%arg10 : memref<!tpu.dma_semaphore, #tpu.memory_space<semaphore_mem>>) src(%dma_wait3A_9 : memref<6144x256xf32, #tpu.memory_space<hbm>>) dst(%arg8 : memref<128x256xf32, #tpu.memory_space<vmem>>)
    "tpu.region"() ({
      %run_scoped3A = tpu.sem_alloc : memref<!tpu.dma_semaphore, #tpu.memory_space<semaphore_mem>>
      %dma_start3A_13 = arith.constant 0 : i32
      %dma_start3A_14 = tpu.memref_slice %arg5[%mul3A_2, %dma_start3A_13] : memref<4096x256xf32, #tpu.memory_space<hbm>> -> memref<128x256xf32, #tpu.memory_space<hbm>>
      %dma_start3A_15 = arith.constant 0 : i32
      %dma_start3A_16 = tpu.memref_slice %arg5[%mul3A_2, %dma_start3A_15] : memref<4096x256xf32, #tpu.memory_space<hbm>> -> memref<128x256xf32, #tpu.memory_space<hbm>>
      tpu.enqueue_dma source(%arg8 : memref<128x256xf32, #tpu.memory_space<vmem>>) target(%dma_start3A_16 : memref<128x256xf32, #tpu.memory_space<hbm>>) target_semaphore(%run_scoped3A : memref<!tpu.dma_semaphore, #tpu.memory_space<semaphore_mem>>)
      %dma_wait3A_17 = arith.constant 0 : i32
      %dma_wait3A_18 = tpu.memref_slice %arg5[%mul3A_2, %dma_wait3A_17] : memref<4096x256xf32, #tpu.memory_space<hbm>> -> memref<128x256xf32, #tpu.memory_space<hbm>>
      %dma_wait3A_19 = arith.constant 0 : i32
      %dma_wait3A_20 = tpu.memref_slice %arg5[%mul3A_2, %dma_wait3A_19] : memref<4096x256xf32, #tpu.memory_space<hbm>> -> memref<128x256xf32, #tpu.memory_space<hbm>>
      tpu.wait_dma2 semaphore(%run_scoped3A : memref<!tpu.dma_semaphore, #tpu.memory_space<semaphore_mem>>) src(%arg8 : memref<128x256xf32, #tpu.memory_space<vmem>>) dst(%dma_wait3A_20 : memref<128x256xf32, #tpu.memory_space<hbm>>)
      tpu.yield
    }) : () -> ()
    %dma_wait3A_10 = arith.constant 0 : i32
    %dma_wait3A_11 = arith.constant 0 : i32
    %dma_wait3A_12 = tpu.memref_slice %arg3[%dma_wait3A_10, %dma_wait3A_11] : memref<6144x128xf32, #tpu.memory_space<hbm>> -> memref<6144x128xf32, #tpu.memory_space<hbm>>
    tpu.wait_indirect_dma semaphore(%arg11 : memref<!tpu.dma_semaphore, #tpu.memory_space<semaphore_mem>>) src(%dma_wait3A_12 : memref<6144x128xf32, #tpu.memory_space<hbm>>) dst(%arg9 : memref<128x128xf32, #tpu.memory_space<vmem>>)
    "tpu.region"() ({
      %run_scoped3A = tpu.sem_alloc : memref<!tpu.dma_semaphore, #tpu.memory_space<semaphore_mem>>
      %dma_start3A_13 = arith.constant 0 : i32
      %dma_start3A_14 = tpu.memref_slice %arg6[%mul3A_2, %dma_start3A_13] : memref<4096x128xf32, #tpu.memory_space<hbm>> -> memref<128x128xf32, #tpu.memory_space<hbm>>
      %dma_start3A_15 = arith.constant 0 : i32
      %dma_start3A_16 = tpu.memref_slice %arg6[%mul3A_2, %dma_start3A_15] : memref<4096x128xf32, #tpu.memory_space<hbm>> -> memref<128x128xf32, #tpu.memory_space<hbm>>
      tpu.enqueue_dma source(%arg9 : memref<128x128xf32, #tpu.memory_space<vmem>>) target(%dma_start3A_16 : memref<128x128xf32, #tpu.memory_space<hbm>>) target_semaphore(%run_scoped3A : memref<!tpu.dma_semaphore, #tpu.memory_space<semaphore_mem>>)
      %dma_wait3A_17 = arith.constant 0 : i32
      %dma_wait3A_18 = tpu.memref_slice %arg6[%mul3A_2, %dma_wait3A_17] : memref<4096x128xf32, #tpu.memory_space<hbm>> -> memref<128x128xf32, #tpu.memory_space<hbm>>
      %dma_wait3A_19 = arith.constant 0 : i32
      %dma_wait3A_20 = tpu.memref_slice %arg6[%mul3A_2, %dma_wait3A_19] : memref<4096x128xf32, #tpu.memory_space<hbm>> -> memref<128x128xf32, #tpu.memory_space<hbm>>
      tpu.wait_dma2 semaphore(%run_scoped3A : memref<!tpu.dma_semaphore, #tpu.memory_space<semaphore_mem>>) src(%arg9 : memref<128x128xf32, #tpu.memory_space<vmem>>) dst(%dma_wait3A_20 : memref<128x128xf32, #tpu.memory_space<hbm>>)
      tpu.yield
    }) : () -> ()
    return
  }
}

module attributes {stable_mosaic.version = 14 : i64} {
  func.func @_router_kernel(%arg0: i32, %arg1: memref<512x128xf32, #tpu.memory_space<vmem>>, %arg2: memref<1x128xf32, #tpu.memory_space<vmem>>, %arg3: memref<1x128xf32, #tpu.memory_space<vmem>>, %arg4: memref<128x128xf32, #tpu.memory_space<vmem>>, %arg5: memref<1x128xf32, #tpu.memory_space<vmem>>, %arg6: memref<128x128xf32, #tpu.memory_space<vmem>>, %arg7: memref<1x128xf32, #tpu.memory_space<vmem>>, %arg8: memref<128x8xf32, #tpu.memory_space<vmem>>, %arg9: memref<1x8xf32, #tpu.memory_space<vmem>>, %arg10: memref<128x4xf32, #tpu.memory_space<vmem>>, %arg11: memref<1x4xf32, #tpu.memory_space<vmem>>, %arg12: memref<512x32xf32, #tpu.memory_space<vmem>>, %arg13: memref<512x1xi32, #tpu.memory_space<vmem>>, %arg14: memref<512x1xf32, #tpu.memory_space<vmem>>, %arg15: memref<512x1xi32, #tpu.memory_space<vmem>>, %arg16: memref<512x1xi32, #tpu.memory_space<vmem>>, %arg17: memref<1x8xi32, #tpu.memory_space<vmem>>, %arg18: memref<1x8xf32, #tpu.memory_space<vmem>>) attributes {dimension_semantics = [#tpu.dimension_semantics<arbitrary>], iteration_bounds = array<i64: 8>, scalar_prefetch = 0 : i64, scratch_operands = 1 : i64, tpu.core_type = #tpu.core_type<tc>, window_params = [{transform_indices = @transform_0, window_bounds = array<i64: 512, 128>}, {pipeline_mode = #tpu.pipeline_mode<synchronous>, transform_indices = @transform_1, window_bounds = array<i64: 1, 128>}, {pipeline_mode = #tpu.pipeline_mode<synchronous>, transform_indices = @transform_2, window_bounds = array<i64: 1, 128>}, {pipeline_mode = #tpu.pipeline_mode<synchronous>, transform_indices = @transform_3, window_bounds = array<i64: 128, 128>}, {pipeline_mode = #tpu.pipeline_mode<synchronous>, transform_indices = @transform_4, window_bounds = array<i64: 1, 128>}, {pipeline_mode = #tpu.pipeline_mode<synchronous>, transform_indices = @transform_5, window_bounds = array<i64: 128, 128>}, {pipeline_mode = #tpu.pipeline_mode<synchronous>, transform_indices = @transform_6, window_bounds = array<i64: 1, 128>}, {pipeline_mode = #tpu.pipeline_mode<synchronous>, transform_indices = @transform_7, window_bounds = array<i64: 128, 8>}, {pipeline_mode = #tpu.pipeline_mode<synchronous>, transform_indices = @transform_8, window_bounds = array<i64: 1, 8>}, {pipeline_mode = #tpu.pipeline_mode<synchronous>, transform_indices = @transform_9, window_bounds = array<i64: 128, 4>}, {pipeline_mode = #tpu.pipeline_mode<synchronous>, transform_indices = @transform_10, window_bounds = array<i64: 1, 4>}, {transform_indices = @transform_11, window_bounds = array<i64: 512, 32>}, {transform_indices = @transform_12, window_bounds = array<i64: 512, 1>}, {transform_indices = @transform_13, window_bounds = array<i64: 512, 1>}, {transform_indices = @transform_14, window_bounds = array<i64: 512, 1>}, {transform_indices = @transform_15, window_bounds = array<i64: 512, 1>}, {pipeline_mode = #tpu.pipeline_mode<synchronous>, transform_indices = @transform_16, window_bounds = array<i64: 1, 8>}]} {
    %eq3A = arith.constant 0 : i32
    %eq3A_0 = arith.cmpi eq, %arg0, %eq3A : i32
    %convert_element_type3A = arith.extui %eq3A_0 : i1 to i32
    %cond3A = arith.constant 0 : i32
    %cond3A_1 = arith.cmpi ne, %convert_element_type3A, %cond3A : i32
    scf.if %cond3A_1 {
      %broadcast_in_dim3A_279 = arith.constant 0.000000e+00 : f32
      %broadcast_in_dim3A_280 = vector.broadcast %broadcast_in_dim3A_279 : f32 to vector<1x8xf32>
      %swap3A_281 = arith.constant 0 : index
      %swap3A_282 = arith.constant 0 : index
      %swap3A_283 = vector.load %arg18[%swap3A_281, %swap3A_282] : memref<1x8xf32, #tpu.memory_space<vmem>>, vector<1x8xf32>
      tpu.vector_store %arg18[%swap3A_281, %swap3A_282], %broadcast_in_dim3A_280 {strides = array<i32>} : memref<1x8xf32, #tpu.memory_space<vmem>>, vector<1x8xf32>,
    } else {
    }
    %get3A = arith.constant 0 : index
    %get3A_2 = arith.constant 0 : index
    %get3A_3 = vector.load %arg1[%get3A, %get3A_2] : memref<512x128xf32, #tpu.memory_space<vmem>>, vector<512x128xf32>
    %reduce_sum3A = arith.constant dense<0.000000e+00> : vector<512xf32>
    %reduce_sum3A_4 = vector.multi_reduction <add>, %get3A_3, %reduce_sum3A [1] : vector<512x128xf32> to vector<512xf32>
    %broadcast_in_dim3A = vector.shape_cast %reduce_sum3A_4 : vector<512xf32> to vector<512x1xf32>
    %div3A = arith.constant 1.280000e+02 : f32
    %div3A_5 = vector.broadcast %div3A : f32 to vector<512x1xf32>
    %div3A_6 = arith.divf %broadcast_in_dim3A, %div3A_5 : vector<512x1xf32>
    %sub3A = vector.broadcast %div3A_6 : vector<512x1xf32> to vector<512x128xf32>
    %sub3A_7 = arith.subf %get3A_3, %sub3A : vector<512x128xf32>
    %integer_pow3A = arith.mulf %sub3A_7, %sub3A_7 : vector<512x128xf32>
    %reduce_sum3A_8 = arith.constant dense<0.000000e+00> : vector<512xf32>
    %reduce_sum3A_9 = vector.multi_reduction <add>, %integer_pow3A, %reduce_sum3A_8 [1] : vector<512x128xf32> to vector<512xf32>
    %broadcast_in_dim3A_10 = vector.shape_cast %reduce_sum3A_9 : vector<512xf32> to vector<512x1xf32>
    %div3A_11 = arith.constant 1.280000e+02 : f32
    %div3A_12 = vector.broadcast %div3A_11 : f32 to vector<512x1xf32>
    %div3A_13 = arith.divf %broadcast_in_dim3A_10, %div3A_12 : vector<512x1xf32>
    %sub3A_14 = vector.broadcast %div3A_6 : vector<512x1xf32> to vector<512x128xf32>
    %sub3A_15 = arith.subf %get3A_3, %sub3A_14 : vector<512x128xf32>
    %add3A = arith.constant 9.99999974E-6 : f32
    %add3A_16 = vector.broadcast %add3A : f32 to vector<512x1xf32>
    %add3A_17 = arith.addf %div3A_13, %add3A_16 : vector<512x1xf32>
    %sqrt3A = math.sqrt %add3A_17 : vector<512x1xf32>
    %div3A_18 = vector.broadcast %sqrt3A : vector<512x1xf32> to vector<512x128xf32>
    %div3A_19 = arith.divf %sub3A_15, %div3A_18 : vector<512x128xf32>
    %get3A_20 = arith.constant 0 : index
    %get3A_21 = arith.constant 0 : index
    %get3A_22 = vector.load %arg2[%get3A_20, %get3A_21] : memref<1x128xf32, #tpu.memory_space<vmem>>, vector<1x128xf32>
    %mul3A = vector.broadcast %get3A_22 : vector<1x128xf32> to vector<512x128xf32>
    %mul3A_23 = arith.mulf %div3A_19, %mul3A : vector<512x128xf32>
    %get3A_24 = arith.constant 0 : index
    %get3A_25 = arith.constant 0 : index
    %get3A_26 = vector.load %arg3[%get3A_24, %get3A_25] : memref<1x128xf32, #tpu.memory_space<vmem>>, vector<1x128xf32>
    %add3A_27 = vector.broadcast %get3A_26 : vector<1x128xf32> to vector<512x128xf32>
    %add3A_28 = arith.addf %mul3A_23, %add3A_27 : vector<512x128xf32>
    %get3A_29 = arith.constant 0 : index
    %get3A_30 = arith.constant 0 : index
    %get3A_31 = vector.load %arg4[%get3A_29, %get3A_30] : memref<128x128xf32, #tpu.memory_space<vmem>>, vector<128x128xf32>
    %dot_general3A = arith.constant dense<0.000000e+00> : vector<512x128xf32>
    %dot_general3A_32 = tpu.matmul %add3A_28, %get3A_31, %dot_general3A {dimension_numbers = #tpu.dot_dimension_numbers<[1], [0], [0], [1], [0, 0, 1, 1], [], []>, transpose_lhs_hint = false} : vector<512x128xf32>, vector<128x128xf32>, vector<512x128xf32> -> vector<512x128xf32>
    %get3A_33 = arith.constant 0 : index
    %get3A_34 = arith.constant 0 : index
    %get3A_35 = vector.load %arg5[%get3A_33, %get3A_34] : memref<1x128xf32, #tpu.memory_space<vmem>>, vector<1x128xf32>
    %add3A_36 = vector.broadcast %get3A_35 : vector<1x128xf32> to vector<512x128xf32>
    %add3A_37 = arith.addf %dot_general3A_32, %add3A_36 : vector<512x128xf32>
    %integer_pow3A_38 = arith.mulf %add3A_37, %add3A_37 : vector<512x128xf32>
    %integer_pow3A_39 = arith.mulf %add3A_37, %integer_pow3A_38 : vector<512x128xf32>
    %mul3A_40 = arith.constant 4.471500e-02 : f32
    %mul3A_41 = vector.broadcast %mul3A_40 : f32 to vector<512x128xf32>
    %mul3A_42 = arith.mulf %mul3A_41, %integer_pow3A_39 : vector<512x128xf32>
    %add3A_43 = arith.addf %add3A_37, %mul3A_42 : vector<512x128xf32>
    %mul3A_44 = arith.constant 0.797884583 : f32
    %mul3A_45 = vector.broadcast %mul3A_44 : f32 to vector<512x128xf32>
    %mul3A_46 = arith.mulf %mul3A_45, %add3A_43 : vector<512x128xf32>
    %tanh3A = math.tanh %mul3A_46 : vector<512x128xf32>
    %add3A_47 = arith.constant 1.000000e+00 : f32
    %add3A_48 = vector.broadcast %add3A_47 : f32 to vector<512x128xf32>
    %add3A_49 = arith.addf %add3A_48, %tanh3A : vector<512x128xf32>
    %mul3A_50 = arith.constant 5.000000e-01 : f32
    %mul3A_51 = vector.broadcast %mul3A_50 : f32 to vector<512x128xf32>
    %mul3A_52 = arith.mulf %mul3A_51, %add3A_49 : vector<512x128xf32>
    %mul3A_53 = arith.mulf %add3A_37, %mul3A_52 : vector<512x128xf32>
    %get3A_54 = arith.constant 0 : index
    %get3A_55 = arith.constant 0 : index
    %get3A_56 = vector.load %arg6[%get3A_54, %get3A_55] : memref<128x128xf32, #tpu.memory_space<vmem>>, vector<128x128xf32>
    %dot_general3A_57 = arith.constant dense<0.000000e+00> : vector<512x128xf32>
    %dot_general3A_58 = tpu.matmul %mul3A_53, %get3A_56, %dot_general3A_57 {dimension_numbers = #tpu.dot_dimension_numbers<[1], [0], [0], [1], [0, 0, 1, 1], [], []>, transpose_lhs_hint = false} : vector<512x128xf32>, vector<128x128xf32>, vector<512x128xf32> -> vector<512x128xf32>
    %get3A_59 = arith.constant 0 : index
    %get3A_60 = arith.constant 0 : index
    %get3A_61 = vector.load %arg7[%get3A_59, %get3A_60] : memref<1x128xf32, #tpu.memory_space<vmem>>, vector<1x128xf32>
    %add3A_62 = vector.broadcast %get3A_61 : vector<1x128xf32> to vector<512x128xf32>
    %add3A_63 = arith.addf %dot_general3A_58, %add3A_62 : vector<512x128xf32>
    %integer_pow3A_64 = arith.mulf %add3A_63, %add3A_63 : vector<512x128xf32>
    %integer_pow3A_65 = arith.mulf %add3A_63, %integer_pow3A_64 : vector<512x128xf32>
    %mul3A_66 = arith.constant 4.471500e-02 : f32
    %mul3A_67 = vector.broadcast %mul3A_66 : f32 to vector<512x128xf32>
    %mul3A_68 = arith.mulf %mul3A_67, %integer_pow3A_65 : vector<512x128xf32>
    %add3A_69 = arith.addf %add3A_63, %mul3A_68 : vector<512x128xf32>
    %mul3A_70 = arith.constant 0.797884583 : f32
    %mul3A_71 = vector.broadcast %mul3A_70 : f32 to vector<512x128xf32>
    %mul3A_72 = arith.mulf %mul3A_71, %add3A_69 : vector<512x128xf32>
    %tanh3A_73 = math.tanh %mul3A_72 : vector<512x128xf32>
    %add3A_74 = arith.constant 1.000000e+00 : f32
    %add3A_75 = vector.broadcast %add3A_74 : f32 to vector<512x128xf32>
    %add3A_76 = arith.addf %add3A_75, %tanh3A_73 : vector<512x128xf32>
    %mul3A_77 = arith.constant 5.000000e-01 : f32
    %mul3A_78 = vector.broadcast %mul3A_77 : f32 to vector<512x128xf32>
    %mul3A_79 = arith.mulf %mul3A_78, %add3A_76 : vector<512x128xf32>
    %mul3A_80 = arith.mulf %add3A_63, %mul3A_79 : vector<512x128xf32>
    %get3A_81 = arith.constant 0 : index
    %get3A_82 = arith.constant 0 : index
    %get3A_83 = vector.load %arg8[%get3A_81, %get3A_82] : memref<128x8xf32, #tpu.memory_space<vmem>>, vector<128x8xf32>
    %dot_general3A_84 = arith.constant dense<0.000000e+00> : vector<512x8xf32>
    %dot_general3A_85 = tpu.matmul %mul3A_80, %get3A_83, %dot_general3A_84 {dimension_numbers = #tpu.dot_dimension_numbers<[1], [0], [0], [1], [0, 0, 1, 1], [], []>, transpose_lhs_hint = false} : vector<512x128xf32>, vector<128x8xf32>, vector<512x8xf32> -> vector<512x8xf32>
    %get3A_86 = arith.constant 0 : index
    %get3A_87 = arith.constant 0 : index
    %get3A_88 = vector.load %arg9[%get3A_86, %get3A_87] : memref<1x8xf32, #tpu.memory_space<vmem>>, vector<1x8xf32>
    %add3A_89 = vector.broadcast %get3A_88 : vector<1x8xf32> to vector<512x8xf32>
    %add3A_90 = arith.addf %dot_general3A_85, %add3A_89 : vector<512x8xf32>
    %get3A_91 = arith.constant 0 : index
    %get3A_92 = arith.constant 0 : index
    %get3A_93 = vector.load %arg10[%get3A_91, %get3A_92] : memref<128x4xf32, #tpu.memory_space<vmem>>, vector<128x4xf32>
    %dot_general3A_94 = arith.constant dense<0.000000e+00> : vector<512x4xf32>
    %dot_general3A_95 = tpu.matmul %mul3A_80, %get3A_93, %dot_general3A_94 {dimension_numbers = #tpu.dot_dimension_numbers<[1], [0], [0], [1], [0, 0, 1, 1], [], []>, transpose_lhs_hint = false} : vector<512x128xf32>, vector<128x4xf32>, vector<512x4xf32> -> vector<512x4xf32>
    %get3A_96 = arith.constant 0 : index
    %get3A_97 = arith.constant 0 : index
    %get3A_98 = vector.load %arg11[%get3A_96, %get3A_97] : memref<1x4xf32, #tpu.memory_space<vmem>>, vector<1x4xf32>
    %add3A_99 = vector.broadcast %get3A_98 : vector<1x4xf32> to vector<512x4xf32>
    %add3A_100 = arith.addf %dot_general3A_95, %add3A_99 : vector<512x4xf32>
    %div3A_101 = arith.constant 1.000000e+00 : f32
    %div3A_102 = vector.broadcast %div3A_101 : f32 to vector<512x8xf32>
    %div3A_103 = arith.divf %add3A_90, %div3A_102 : vector<512x8xf32>
    %reduce_max3A = arith.constant dense<0xFF800000> : vector<512xf32>
    %reduce_max3A_104 = vector.multi_reduction <maximumf>, %div3A_103, %reduce_max3A [1] : vector<512x8xf32> to vector<512xf32>
    %max3A = arith.constant 0xFF800000 : f32
    %max3A_105 = vector.broadcast %max3A : f32 to vector<512xf32>
    %max3A_106 = arith.maximumf %max3A_105, %reduce_max3A_104 : vector<512xf32>
    %broadcast_in_dim3A_107 = vector.shape_cast %max3A_106 : vector<512xf32> to vector<512x1xf32>
    %sub3A_108 = vector.broadcast %broadcast_in_dim3A_107 : vector<512x1xf32> to vector<512x8xf32>
    %sub3A_109 = arith.subf %div3A_103, %sub3A_108 : vector<512x8xf32>
    %exp3A = math.exp %sub3A_109 : vector<512x8xf32>
    %reduce_sum3A_110 = arith.constant dense<0.000000e+00> : vector<512xf32>
    %reduce_sum3A_111 = vector.multi_reduction <add>, %exp3A, %reduce_sum3A_110 [1] : vector<512x8xf32> to vector<512xf32>
    %broadcast_in_dim3A_112 = vector.shape_cast %reduce_sum3A_111 : vector<512xf32> to vector<512x1xf32>
    %div3A_113 = vector.broadcast %broadcast_in_dim3A_112 : vector<512x1xf32> to vector<512x8xf32>
    %div3A_114 = arith.divf %exp3A, %div3A_113 : vector<512x8xf32>
    %div3A_115 = arith.constant 1.000000e+00 : f32
    %div3A_116 = vector.broadcast %div3A_115 : f32 to vector<512x4xf32>
    %div3A_117 = arith.divf %add3A_100, %div3A_116 : vector<512x4xf32>
    %reduce_max3A_118 = arith.constant dense<0xFF800000> : vector<512xf32>
    %reduce_max3A_119 = vector.multi_reduction <maximumf>, %div3A_117, %reduce_max3A_118 [1] : vector<512x4xf32> to vector<512xf32>
    %max3A_120 = arith.constant 0xFF800000 : f32
    %max3A_121 = vector.broadcast %max3A_120 : f32 to vector<512xf32>
    %max3A_122 = arith.maximumf %max3A_121, %reduce_max3A_119 : vector<512xf32>
    %broadcast_in_dim3A_123 = vector.shape_cast %max3A_122 : vector<512xf32> to vector<512x1xf32>
    %sub3A_124 = vector.broadcast %broadcast_in_dim3A_123 : vector<512x1xf32> to vector<512x4xf32>
    %sub3A_125 = arith.subf %div3A_117, %sub3A_124 : vector<512x4xf32>
    %exp3A_126 = math.exp %sub3A_125 : vector<512x4xf32>
    %reduce_sum3A_127 = arith.constant dense<0.000000e+00> : vector<512xf32>
    %reduce_sum3A_128 = vector.multi_reduction <add>, %exp3A_126, %reduce_sum3A_127 [1] : vector<512x4xf32> to vector<512xf32>
    %broadcast_in_dim3A_129 = vector.shape_cast %reduce_sum3A_128 : vector<512xf32> to vector<512x1xf32>
    %div3A_130 = vector.broadcast %broadcast_in_dim3A_129 : vector<512x1xf32> to vector<512x4xf32>
    %div3A_131 = arith.divf %exp3A_126, %div3A_130 : vector<512x4xf32>
    %slice3A = vector.extract_strided_slice %add3A_90 {offsets = [0, 0], sizes = [512, 1], strides = [1, 1]} : vector<512x8xf32> to vector<512x1xf32>
    %add3A_132 = vector.broadcast %slice3A : vector<512x1xf32> to vector<512x4xf32>
    %add3A_133 = arith.addf %add3A_132, %add3A_100 : vector<512x4xf32>
    %slice3A_134 = vector.extract_strided_slice %add3A_90 {offsets = [0, 1], sizes = [512, 1], strides = [1, 1]} : vector<512x8xf32> to vector<512x1xf32>
    %add3A_135 = vector.broadcast %slice3A_134 : vector<512x1xf32> to vector<512x4xf32>
    %add3A_136 = arith.addf %add3A_135, %add3A_100 : vector<512x4xf32>
    %slice3A_137 = vector.extract_strided_slice %add3A_90 {offsets = [0, 2], sizes = [512, 1], strides = [1, 1]} : vector<512x8xf32> to vector<512x1xf32>
    %add3A_138 = vector.broadcast %slice3A_137 : vector<512x1xf32> to vector<512x4xf32>
    %add3A_139 = arith.addf %add3A_138, %add3A_100 : vector<512x4xf32>
    %slice3A_140 = vector.extract_strided_slice %add3A_90 {offsets = [0, 3], sizes = [512, 1], strides = [1, 1]} : vector<512x8xf32> to vector<512x1xf32>
    %add3A_141 = vector.broadcast %slice3A_140 : vector<512x1xf32> to vector<512x4xf32>
    %add3A_142 = arith.addf %add3A_141, %add3A_100 : vector<512x4xf32>
    %slice3A_143 = vector.extract_strided_slice %add3A_90 {offsets = [0, 4], sizes = [512, 1], strides = [1, 1]} : vector<512x8xf32> to vector<512x1xf32>
    %add3A_144 = vector.broadcast %slice3A_143 : vector<512x1xf32> to vector<512x4xf32>
    %add3A_145 = arith.addf %add3A_144, %add3A_100 : vector<512x4xf32>
    %slice3A_146 = vector.extract_strided_slice %add3A_90 {offsets = [0, 5], sizes = [512, 1], strides = [1, 1]} : vector<512x8xf32> to vector<512x1xf32>
    %add3A_147 = vector.broadcast %slice3A_146 : vector<512x1xf32> to vector<512x4xf32>
    %add3A_148 = arith.addf %add3A_147, %add3A_100 : vector<512x4xf32>
    %slice3A_149 = vector.extract_strided_slice %add3A_90 {offsets = [0, 6], sizes = [512, 1], strides = [1, 1]} : vector<512x8xf32> to vector<512x1xf32>
    %add3A_150 = vector.broadcast %slice3A_149 : vector<512x1xf32> to vector<512x4xf32>
    %add3A_151 = arith.addf %add3A_150, %add3A_100 : vector<512x4xf32>
    %slice3A_152 = vector.extract_strided_slice %add3A_90 {offsets = [0, 7], sizes = [512, 1], strides = [1, 1]} : vector<512x8xf32> to vector<512x1xf32>
    %add3A_153 = vector.broadcast %slice3A_152 : vector<512x1xf32> to vector<512x4xf32>
    %add3A_154 = arith.addf %add3A_153, %add3A_100 : vector<512x4xf32>
    %concatenate3A = tpu.concatenate %add3A_133, %add3A_136, %add3A_139, %add3A_142, %add3A_145, %add3A_148, %add3A_151, %add3A_154 in 1 : vector<512x4xf32>, vector<512x4xf32>, vector<512x4xf32>, vector<512x4xf32>, vector<512x4xf32>, vector<512x4xf32>, vector<512x4xf32>, vector<512x4xf32> -> vector<512x32xf32>
    %slice3A_155 = vector.extract_strided_slice %div3A_114 {offsets = [0, 0], sizes = [512, 1], strides = [1, 1]} : vector<512x8xf32> to vector<512x1xf32>
    %mul3A_156 = vector.broadcast %slice3A_155 : vector<512x1xf32> to vector<512x4xf32>
    %mul3A_157 = arith.mulf %mul3A_156, %div3A_131 : vector<512x4xf32>
    %slice3A_158 = vector.extract_strided_slice %div3A_114 {offsets = [0, 1], sizes = [512, 1], strides = [1, 1]} : vector<512x8xf32> to vector<512x1xf32>
    %mul3A_159 = vector.broadcast %slice3A_158 : vector<512x1xf32> to vector<512x4xf32>
    %mul3A_160 = arith.mulf %mul3A_159, %div3A_131 : vector<512x4xf32>
    %slice3A_161 = vector.extract_strided_slice %div3A_114 {offsets = [0, 2], sizes = [512, 1], strides = [1, 1]} : vector<512x8xf32> to vector<512x1xf32>
    %mul3A_162 = vector.broadcast %slice3A_161 : vector<512x1xf32> to vector<512x4xf32>
    %mul3A_163 = arith.mulf %mul3A_162, %div3A_131 : vector<512x4xf32>
    %slice3A_164 = vector.extract_strided_slice %div3A_114 {offsets = [0, 3], sizes = [512, 1], strides = [1, 1]} : vector<512x8xf32> to vector<512x1xf32>
    %mul3A_165 = vector.broadcast %slice3A_164 : vector<512x1xf32> to vector<512x4xf32>
    %mul3A_166 = arith.mulf %mul3A_165, %div3A_131 : vector<512x4xf32>
    %slice3A_167 = vector.extract_strided_slice %div3A_114 {offsets = [0, 4], sizes = [512, 1], strides = [1, 1]} : vector<512x8xf32> to vector<512x1xf32>
    %mul3A_168 = vector.broadcast %slice3A_167 : vector<512x1xf32> to vector<512x4xf32>
    %mul3A_169 = arith.mulf %mul3A_168, %div3A_131 : vector<512x4xf32>
    %slice3A_170 = vector.extract_strided_slice %div3A_114 {offsets = [0, 5], sizes = [512, 1], strides = [1, 1]} : vector<512x8xf32> to vector<512x1xf32>
    %mul3A_171 = vector.broadcast %slice3A_170 : vector<512x1xf32> to vector<512x4xf32>
    %mul3A_172 = arith.mulf %mul3A_171, %div3A_131 : vector<512x4xf32>
    %slice3A_173 = vector.extract_strided_slice %div3A_114 {offsets = [0, 6], sizes = [512, 1], strides = [1, 1]} : vector<512x8xf32> to vector<512x1xf32>
    %mul3A_174 = vector.broadcast %slice3A_173 : vector<512x1xf32> to vector<512x4xf32>
    %mul3A_175 = arith.mulf %mul3A_174, %div3A_131 : vector<512x4xf32>
    %slice3A_176 = vector.extract_strided_slice %div3A_114 {offsets = [0, 7], sizes = [512, 1], strides = [1, 1]} : vector<512x8xf32> to vector<512x1xf32>
    %mul3A_177 = vector.broadcast %slice3A_176 : vector<512x1xf32> to vector<512x4xf32>
    %mul3A_178 = arith.mulf %mul3A_177, %div3A_131 : vector<512x4xf32>
    %concatenate3A_179 = tpu.concatenate %mul3A_157, %mul3A_160, %mul3A_163, %mul3A_166, %mul3A_169, %mul3A_172, %mul3A_175, %mul3A_178 in 1 : vector<512x4xf32>, vector<512x4xf32>, vector<512x4xf32>, vector<512x4xf32>, vector<512x4xf32>, vector<512x4xf32>, vector<512x4xf32>, vector<512x4xf32> -> vector<512x32xf32>
    %iota3A = tpu.iota {dimensions = array<i32: 1>} : vector<512x32xi32>
    %reduce_max3A_180 = arith.constant dense<0xFF800000> : vector<512xf32>
    %reduce_max3A_181 = vector.multi_reduction <maximumf>, %concatenate3A, %reduce_max3A_180 [1] : vector<512x32xf32> to vector<512xf32>
    %broadcast_in_dim3A_182 = vector.shape_cast %reduce_max3A_181 : vector<512xf32> to vector<512x1xf32>
    %eq3A_183 = vector.broadcast %broadcast_in_dim3A_182 : vector<512x1xf32> to vector<512x32xf32>
    %eq3A_184 = arith.cmpf oeq, %concatenate3A, %eq3A_183 : vector<512x32xf32>
    %jit3A = arith.constant 32 : i32
    %broadcast_in_dim3A_185 = vector.broadcast %jit3A : i32 to vector<512x32xi32>
    %select_n3A = arith.select %eq3A_184, %iota3A, %broadcast_in_dim3A_185 : vector<512x32xi1>, vector<512x32xi32>
    %reduce_min3A = arith.constant dense<2147483647> : vector<512xi32>
    %reduce_min3A_186 = vector.multi_reduction <minsi>, %select_n3A, %reduce_min3A [1] : vector<512x32xi32> to vector<512xi32>
    %broadcast_in_dim3A_187 = vector.shape_cast %reduce_min3A_186 : vector<512xi32> to vector<512x1xi32>
    %eq3A_188 = vector.broadcast %broadcast_in_dim3A_187 : vector<512x1xi32> to vector<512x32xi32>
    %eq3A_189 = arith.cmpi eq, %iota3A, %eq3A_188 : vector<512x32xi32>
    %jit3A_190 = arith.constant 0.000000e+00 : f32
    %broadcast_in_dim3A_191 = vector.broadcast %jit3A_190 : f32 to vector<512x32xf32>
    %select_n3A_192 = arith.select %eq3A_189, %concatenate3A_179, %broadcast_in_dim3A_191 : vector<512x32xi1>, vector<512x32xf32>
    %reduce_sum3A_193 = arith.constant dense<0.000000e+00> : vector<512xf32>
    %reduce_sum3A_194 = vector.multi_reduction <add>, %select_n3A_192, %reduce_sum3A_193 [1] : vector<512x32xf32> to vector<512xf32>
    %broadcast_in_dim3A_195 = vector.shape_cast %reduce_sum3A_194 : vector<512xf32> to vector<512x1xf32>
    %jit3A_196 = arith.constant 4 : i32
    %div3A_197 = vector.broadcast %jit3A_196 : i32 to vector<512x1xi32>
    %div3A_198 = arith.divsi %broadcast_in_dim3A_187, %div3A_197 : vector<512x1xi32>
    %sign3A = arith.constant 0 : i32
    %sign3A_199 = vector.broadcast %sign3A : i32 to vector<512x1xi32>
    %sign3A_200 = arith.cmpi sgt, %broadcast_in_dim3A_187, %sign3A_199 : vector<512x1xi32>
    %sign3A_201 = arith.extui %sign3A_200 : vector<512x1xi1> to vector<512x1xi32>
    %sign3A_202 = arith.constant 0 : i32
    %sign3A_203 = vector.broadcast %sign3A_202 : i32 to vector<512x1xi32>
    %sign3A_204 = arith.cmpi slt, %broadcast_in_dim3A_187, %sign3A_203 : vector<512x1xi32>
    %sign3A_205 = arith.extui %sign3A_204 : vector<512x1xi1> to vector<512x1xi32>
    %sign3A_206 = arith.subi %sign3A_201, %sign3A_205 : vector<512x1xi32>
    %sign3A_207 = arith.constant 0 : i32
    %sign3A_208 = arith.cmpi sgt, %jit3A_196, %sign3A_207 : i32
    %sign3A_209 = arith.extui %sign3A_208 : i1 to i32
    %sign3A_210 = arith.constant 0 : i32
    %sign3A_211 = arith.cmpi slt, %jit3A_196, %sign3A_210 : i32
    %sign3A_212 = arith.extui %sign3A_211 : i1 to i32
    %sign3A_213 = arith.subi %sign3A_209, %sign3A_212 : i32
    %ne3A = vector.broadcast %sign3A_213 : i32 to vector<512x1xi32>
    %ne3A_214 = arith.cmpi ne, %sign3A_206, %ne3A : vector<512x1xi32>
    %rem3A = vector.broadcast %jit3A_196 : i32 to vector<512x1xi32>
    %rem3A_215 = arith.remsi %broadcast_in_dim3A_187, %rem3A : vector<512x1xi32>
    %ne3A_216 = arith.constant 0 : i32
    %ne3A_217 = vector.broadcast %ne3A_216 : i32 to vector<512x1xi32>
    %ne3A_218 = arith.cmpi ne, %rem3A_215, %ne3A_217 : vector<512x1xi32>
    %and3A = arith.andi %ne3A_214, %ne3A_218 : vector<512x1xi1>
    %sub3A_219 = arith.constant 1 : i32
    %sub3A_220 = vector.broadcast %sub3A_219 : i32 to vector<512x1xi32>
    %sub3A_221 = arith.subi %div3A_198, %sub3A_220 : vector<512x1xi32>
    %select_n3A_222 = arith.select %and3A, %sub3A_221, %div3A_198 : vector<512x1xi1>, vector<512x1xi32>
    %swap3A = arith.constant 0 : index
    %swap3A_223 = arith.constant 0 : index
    %swap3A_224 = vector.load %arg12[%swap3A, %swap3A_223] : memref<512x32xf32, #tpu.memory_space<vmem>>, vector<512x32xf32>
    tpu.vector_store %arg12[%swap3A, %swap3A_223], %concatenate3A_179 {strides = array<i32>} : memref<512x32xf32, #tpu.memory_space<vmem>>, vector<512x32xf32>,
    %swap3A_225 = arith.constant 0 : index
    %swap3A_226 = arith.constant 0 : index
    %swap3A_227 = vector.load %arg13[%swap3A_225, %swap3A_226] : memref<512x1xi32, #tpu.memory_space<vmem>>, vector<512x1xi32>
    tpu.vector_store %arg13[%swap3A_225, %swap3A_226], %broadcast_in_dim3A_187 {strides = array<i32>} : memref<512x1xi32, #tpu.memory_space<vmem>>, vector<512x1xi32>,
    %swap3A_228 = arith.constant 0 : index
    %swap3A_229 = arith.constant 0 : index
    %swap3A_230 = vector.load %arg14[%swap3A_228, %swap3A_229] : memref<512x1xf32, #tpu.memory_space<vmem>>, vector<512x1xf32>
    tpu.vector_store %arg14[%swap3A_228, %swap3A_229], %broadcast_in_dim3A_195 {strides = array<i32>} : memref<512x1xf32, #tpu.memory_space<vmem>>, vector<512x1xf32>,
    %swap3A_231 = arith.constant 0 : index
    %swap3A_232 = arith.constant 0 : index
    %swap3A_233 = vector.load %arg15[%swap3A_231, %swap3A_232] : memref<512x1xi32, #tpu.memory_space<vmem>>, vector<512x1xi32>
    tpu.vector_store %arg15[%swap3A_231, %swap3A_232], %select_n3A_222 {strides = array<i32>} : memref<512x1xi32, #tpu.memory_space<vmem>>, vector<512x1xi32>,
    %iota3A_234 = tpu.iota {dimensions = array<i32: 1>} : vector<512x8xi32>
    %eq3A_235 = vector.broadcast %select_n3A_222 : vector<512x1xi32> to vector<512x8xi32>
    %eq3A_236 = arith.cmpi eq, %eq3A_235, %iota3A_234 : vector<512x8xi32>
    %convert_element_type3A_237 = arith.extui %eq3A_236 : vector<512x8xi1> to vector<512x8xi32>
    %convert_element_type3A_238 = arith.sitofp %convert_element_type3A_237 : vector<512x8xi32> to vector<512x8xf32>
    %iota3A_239 = tpu.iota {dimensions = array<i32: 0>} : vector<512x512xi32>
    %iota3A_240 = tpu.iota {dimensions = array<i32: 1>} : vector<512x512xi32>
    %le3A = arith.cmpi sle, %iota3A_240, %iota3A_239 : vector<512x512xi32>
    %convert_element_type3A_241 = arith.extui %le3A : vector<512x512xi1> to vector<512x512xi32>
    %convert_element_type3A_242 = arith.sitofp %convert_element_type3A_241 : vector<512x512xi32> to vector<512x512xf32>
    %dot_general3A_243 = arith.constant dense<0.000000e+00> : vector<512x8xf32>
    %dot_general3A_244 = tpu.matmul %convert_element_type3A_242, %convert_element_type3A_238, %dot_general3A_243 {dimension_numbers = #tpu.dot_dimension_numbers<[1], [0], [0], [1], [0, 0, 1, 1], [], []>, transpose_lhs_hint = false} : vector<512x512xf32>, vector<512x8xf32>, vector<512x8xf32> -> vector<512x8xf32>
    %slice3A_245 = vector.extract_strided_slice %dot_general3A_244 {offsets = [511, 0], sizes = [1, 8], strides = [1, 1]} : vector<512x8xf32> to vector<1x8xf32>
    %get3A_246 = arith.constant 0 : index
    %get3A_247 = arith.constant 0 : index
    %get3A_248 = vector.load %arg18[%get3A_246, %get3A_247] : memref<1x8xf32, #tpu.memory_space<vmem>>, vector<1x8xf32>
    %jit3A_249 = arith.constant 0.000000e+00 : f32
    %broadcast_in_dim3A_250 = vector.broadcast %jit3A_249 : f32 to vector<512x8xf32>
    %select_n3A_251 = arith.select %eq3A_236, %dot_general3A_244, %broadcast_in_dim3A_250 : vector<512x8xi1>, vector<512x8xf32>
    %reduce_sum3A_252 = arith.constant dense<0.000000e+00> : vector<512xf32>
    %reduce_sum3A_253 = vector.multi_reduction <add>, %select_n3A_251, %reduce_sum3A_252 [1] : vector<512x8xf32> to vector<512xf32>
    %broadcast_in_dim3A_254 = vector.shape_cast %reduce_sum3A_253 : vector<512xf32> to vector<512x1xf32>
    %jit3A_255 = arith.constant 0.000000e+00 : f32
    %broadcast_in_dim3A_256 = vector.shape_cast %get3A_248 : vector<1x8xf32> to vector<1x8xf32>
    %broadcast_in_dim3A_257 = vector.broadcast %broadcast_in_dim3A_256 : vector<1x8xf32> to vector<512x8xf32>
    %broadcast_in_dim3A_258 = vector.broadcast %jit3A_255 : f32 to vector<512x8xf32>
    %select_n3A_259 = arith.select %eq3A_236, %broadcast_in_dim3A_257, %broadcast_in_dim3A_258 : vector<512x8xi1>, vector<512x8xf32>
    %reduce_sum3A_260 = arith.constant dense<0.000000e+00> : vector<512xf32>
    %reduce_sum3A_261 = vector.multi_reduction <add>, %select_n3A_259, %reduce_sum3A_260 [1] : vector<512x8xf32> to vector<512xf32>
    %broadcast_in_dim3A_262 = vector.shape_cast %reduce_sum3A_261 : vector<512xf32> to vector<512x1xf32>
    %add3A_263 = arith.addf %broadcast_in_dim3A_262, %broadcast_in_dim3A_254 : vector<512x1xf32>
    %sub3A_264 = arith.constant 1.000000e+00 : f32
    %sub3A_265 = vector.broadcast %sub3A_264 : f32 to vector<512x1xf32>
    %sub3A_266 = arith.subf %add3A_263, %sub3A_265 : vector<512x1xf32>
    %convert_element_type3A_267 = arith.fptosi %sub3A_266 : vector<512x1xf32> to vector<512x1xi32>
    %swap3A_268 = arith.constant 0 : index
    %swap3A_269 = arith.constant 0 : index
    %swap3A_270 = vector.load %arg16[%swap3A_268, %swap3A_269] : memref<512x1xi32, #tpu.memory_space<vmem>>, vector<512x1xi32>
    tpu.vector_store %arg16[%swap3A_268, %swap3A_269], %convert_element_type3A_267 {strides = array<i32>} : memref<512x1xi32, #tpu.memory_space<vmem>>, vector<512x1xi32>,
    %add3A_271 = arith.addf %get3A_248, %slice3A_245 : vector<1x8xf32>
    %swap3A_272 = arith.constant 0 : index
    %swap3A_273 = arith.constant 0 : index
    %swap3A_274 = vector.load %arg18[%swap3A_272, %swap3A_273] : memref<1x8xf32, #tpu.memory_space<vmem>>, vector<1x8xf32>
    tpu.vector_store %arg18[%swap3A_272, %swap3A_273], %add3A_271 {strides = array<i32>} : memref<1x8xf32, #tpu.memory_space<vmem>>, vector<1x8xf32>,
    %convert_element_type3A_275 = arith.fptosi %add3A_271 : vector<1x8xf32> to vector<1x8xi32>
    %swap3A_276 = arith.constant 0 : index
    %swap3A_277 = arith.constant 0 : index
    %swap3A_278 = vector.load %arg17[%swap3A_276, %swap3A_277] : memref<1x8xi32, #tpu.memory_space<vmem>>, vector<1x8xi32>
    tpu.vector_store %arg17[%swap3A_276, %swap3A_277], %convert_element_type3A_275 {strides = array<i32>} : memref<1x8xi32, #tpu.memory_space<vmem>>, vector<1x8xi32>,
    return
  }
  func.func @transform_0(%arg0: i32) -> (i32, i32) {
    %c0_i32 = arith.constant 0 : i32
    %c0_i32_0 = arith.constant 0 : i32
    return %arg0, %c0_i32 : i32, i32
  }
  func.func @transform_1(%arg0: i32) -> (i32, i32) {
    %c0_i32 = arith.constant 0 : i32
    %c0_i32_0 = arith.constant 0 : i32
    %c0_i32_1 = arith.constant 0 : i32
    return %c0_i32, %c0_i32_0 : i32, i32
  }
  func.func @transform_2(%arg0: i32) -> (i32, i32) {
    %c0_i32 = arith.constant 0 : i32
    %c0_i32_0 = arith.constant 0 : i32
    %c0_i32_1 = arith.constant 0 : i32
    return %c0_i32, %c0_i32_0 : i32, i32
  }
  func.func @transform_3(%arg0: i32) -> (i32, i32) {
    %c0_i32 = arith.constant 0 : i32
    %c0_i32_0 = arith.constant 0 : i32
    %c0_i32_1 = arith.constant 0 : i32
    return %c0_i32, %c0_i32_0 : i32, i32
  }
  func.func @transform_4(%arg0: i32) -> (i32, i32) {
    %c0_i32 = arith.constant 0 : i32
    %c0_i32_0 = arith.constant 0 : i32
    %c0_i32_1 = arith.constant 0 : i32
    return %c0_i32, %c0_i32_0 : i32, i32
  }
  func.func @transform_5(%arg0: i32) -> (i32, i32) {
    %c0_i32 = arith.constant 0 : i32
    %c0_i32_0 = arith.constant 0 : i32
    %c0_i32_1 = arith.constant 0 : i32
    return %c0_i32, %c0_i32_0 : i32, i32
  }
  func.func @transform_6(%arg0: i32) -> (i32, i32) {
    %c0_i32 = arith.constant 0 : i32
    %c0_i32_0 = arith.constant 0 : i32
    %c0_i32_1 = arith.constant 0 : i32
    return %c0_i32, %c0_i32_0 : i32, i32
  }
  func.func @transform_7(%arg0: i32) -> (i32, i32) {
    %c0_i32 = arith.constant 0 : i32
    %c0_i32_0 = arith.constant 0 : i32
    %c0_i32_1 = arith.constant 0 : i32
    return %c0_i32, %c0_i32_0 : i32, i32
  }
  func.func @transform_8(%arg0: i32) -> (i32, i32) {
    %c0_i32 = arith.constant 0 : i32
    %c0_i32_0 = arith.constant 0 : i32
    %c0_i32_1 = arith.constant 0 : i32
    return %c0_i32, %c0_i32_0 : i32, i32
  }
  func.func @transform_9(%arg0: i32) -> (i32, i32) {
    %c0_i32 = arith.constant 0 : i32
    %c0_i32_0 = arith.constant 0 : i32
    %c0_i32_1 = arith.constant 0 : i32
    return %c0_i32, %c0_i32_0 : i32, i32
  }
  func.func @transform_10(%arg0: i32) -> (i32, i32) {
    %c0_i32 = arith.constant 0 : i32
    %c0_i32_0 = arith.constant 0 : i32
    %c0_i32_1 = arith.constant 0 : i32
    return %c0_i32, %c0_i32_0 : i32, i32
  }
  func.func @transform_11(%arg0: i32) -> (i32, i32) {
    %c0_i32 = arith.constant 0 : i32
    %c0_i32_0 = arith.constant 0 : i32
    return %arg0, %c0_i32 : i32, i32
  }
  func.func @transform_12(%arg0: i32) -> (i32, i32) {
    %c0_i32 = arith.constant 0 : i32
    %c0_i32_0 = arith.constant 0 : i32
    return %arg0, %c0_i32 : i32, i32
  }
  func.func @transform_13(%arg0: i32) -> (i32, i32) {
    %c0_i32 = arith.constant 0 : i32
    %c0_i32_0 = arith.constant 0 : i32
    return %arg0, %c0_i32 : i32, i32
  }
  func.func @transform_14(%arg0: i32) -> (i32, i32) {
    %c0_i32 = arith.constant 0 : i32
    %c0_i32_0 = arith.constant 0 : i32
    return %arg0, %c0_i32 : i32, i32
  }
  func.func @transform_15(%arg0: i32) -> (i32, i32) {
    %c0_i32 = arith.constant 0 : i32
    %c0_i32_0 = arith.constant 0 : i32
    return %arg0, %c0_i32 : i32, i32
  }
  func.func @transform_16(%arg0: i32) -> (i32, i32) {
    %c0_i32 = arith.constant 0 : i32
    %c0_i32_0 = arith.constant 0 : i32
    %c0_i32_1 = arith.constant 0 : i32
    return %c0_i32, %c0_i32_0 : i32, i32
  }
}

module attributes {stable_mosaic.version = 14 : i64} {
  func.func @_norms_kernel(%arg0: memref<8192x256xf32, #tpu.memory_space<vmem>>, %arg1: memref<1x8192xf32, #tpu.memory_space<vmem>>) attributes {dimension_semantics = [], scalar_prefetch = 0 : i64, scratch_operands = 0 : i64, tpu.core_type = #tpu.core_type<tc>} {
    %get3A = arith.constant 0 : index
    %get3A_0 = arith.constant 0 : index
    %get3A_1 = vector.load %arg0[%get3A, %get3A_0] : memref<8192x256xf32, #tpu.memory_space<vmem>>, vector<1024x256xf32>
    %mul3A = arith.mulf %get3A_1, %get3A_1 : vector<1024x256xf32>
    %reduce_sum3A = arith.constant dense<0.000000e+00> : vector<1024xf32>
    %reduce_sum3A_2 = vector.multi_reduction <add>, %mul3A, %reduce_sum3A [1] : vector<1024x256xf32> to vector<1024xf32>
    %broadcast_in_dim3A = vector.shape_cast %reduce_sum3A_2 : vector<1024xf32> to vector<1x1024xf32>
    %swap3A = arith.constant 0 : index
    %swap3A_3 = arith.constant 0 : index
    %swap3A_4 = vector.load %arg1[%swap3A, %swap3A_3] : memref<1x8192xf32, #tpu.memory_space<vmem>>, vector<1x1024xf32>
    tpu.vector_store %arg1[%swap3A, %swap3A_3], %broadcast_in_dim3A {strides = array<i32>} : memref<1x8192xf32, #tpu.memory_space<vmem>>, vector<1x1024xf32>,
    %get3A_5 = arith.constant 1024 : index
    %get3A_6 = arith.constant 0 : index
    %get3A_7 = vector.load %arg0[%get3A_5, %get3A_6] : memref<8192x256xf32, #tpu.memory_space<vmem>>, vector<1024x256xf32>
    %mul3A_8 = arith.mulf %get3A_7, %get3A_7 : vector<1024x256xf32>
    %reduce_sum3A_9 = arith.constant dense<0.000000e+00> : vector<1024xf32>
    %reduce_sum3A_10 = vector.multi_reduction <add>, %mul3A_8, %reduce_sum3A_9 [1] : vector<1024x256xf32> to vector<1024xf32>
    %broadcast_in_dim3A_11 = vector.shape_cast %reduce_sum3A_10 : vector<1024xf32> to vector<1x1024xf32>
    %swap3A_12 = arith.constant 0 : index
    %swap3A_13 = arith.constant 1024 : index
    %swap3A_14 = vector.load %arg1[%swap3A_12, %swap3A_13] : memref<1x8192xf32, #tpu.memory_space<vmem>>, vector<1x1024xf32>
    tpu.vector_store %arg1[%swap3A_12, %swap3A_13], %broadcast_in_dim3A_11 {strides = array<i32>} : memref<1x8192xf32, #tpu.memory_space<vmem>>, vector<1x1024xf32>,
    %get3A_15 = arith.constant 2048 : index
    %get3A_16 = arith.constant 0 : index
    %get3A_17 = vector.load %arg0[%get3A_15, %get3A_16] : memref<8192x256xf32, #tpu.memory_space<vmem>>, vector<1024x256xf32>
    %mul3A_18 = arith.mulf %get3A_17, %get3A_17 : vector<1024x256xf32>
    %reduce_sum3A_19 = arith.constant dense<0.000000e+00> : vector<1024xf32>
    %reduce_sum3A_20 = vector.multi_reduction <add>, %mul3A_18, %reduce_sum3A_19 [1] : vector<1024x256xf32> to vector<1024xf32>
    %broadcast_in_dim3A_21 = vector.shape_cast %reduce_sum3A_20 : vector<1024xf32> to vector<1x1024xf32>
    %swap3A_22 = arith.constant 0 : index
    %swap3A_23 = arith.constant 2048 : index
    %swap3A_24 = vector.load %arg1[%swap3A_22, %swap3A_23] : memref<1x8192xf32, #tpu.memory_space<vmem>>, vector<1x1024xf32>
    tpu.vector_store %arg1[%swap3A_22, %swap3A_23], %broadcast_in_dim3A_21 {strides = array<i32>} : memref<1x8192xf32, #tpu.memory_space<vmem>>, vector<1x1024xf32>,
    %get3A_25 = arith.constant 3072 : index
    %get3A_26 = arith.constant 0 : index
    %get3A_27 = vector.load %arg0[%get3A_25, %get3A_26] : memref<8192x256xf32, #tpu.memory_space<vmem>>, vector<1024x256xf32>
    %mul3A_28 = arith.mulf %get3A_27, %get3A_27 : vector<1024x256xf32>
    %reduce_sum3A_29 = arith.constant dense<0.000000e+00> : vector<1024xf32>
    %reduce_sum3A_30 = vector.multi_reduction <add>, %mul3A_28, %reduce_sum3A_29 [1] : vector<1024x256xf32> to vector<1024xf32>
    %broadcast_in_dim3A_31 = vector.shape_cast %reduce_sum3A_30 : vector<1024xf32> to vector<1x1024xf32>
    %swap3A_32 = arith.constant 0 : index
    %swap3A_33 = arith.constant 3072 : index
    %swap3A_34 = vector.load %arg1[%swap3A_32, %swap3A_33] : memref<1x8192xf32, #tpu.memory_space<vmem>>, vector<1x1024xf32>
    tpu.vector_store %arg1[%swap3A_32, %swap3A_33], %broadcast_in_dim3A_31 {strides = array<i32>} : memref<1x8192xf32, #tpu.memory_space<vmem>>, vector<1x1024xf32>,
    %get3A_35 = arith.constant 4096 : index
    %get3A_36 = arith.constant 0 : index
    %get3A_37 = vector.load %arg0[%get3A_35, %get3A_36] : memref<8192x256xf32, #tpu.memory_space<vmem>>, vector<1024x256xf32>
    %mul3A_38 = arith.mulf %get3A_37, %get3A_37 : vector<1024x256xf32>
    %reduce_sum3A_39 = arith.constant dense<0.000000e+00> : vector<1024xf32>
    %reduce_sum3A_40 = vector.multi_reduction <add>, %mul3A_38, %reduce_sum3A_39 [1] : vector<1024x256xf32> to vector<1024xf32>
    %broadcast_in_dim3A_41 = vector.shape_cast %reduce_sum3A_40 : vector<1024xf32> to vector<1x1024xf32>
    %swap3A_42 = arith.constant 0 : index
    %swap3A_43 = arith.constant 4096 : index
    %swap3A_44 = vector.load %arg1[%swap3A_42, %swap3A_43] : memref<1x8192xf32, #tpu.memory_space<vmem>>, vector<1x1024xf32>
    tpu.vector_store %arg1[%swap3A_42, %swap3A_43], %broadcast_in_dim3A_41 {strides = array<i32>} : memref<1x8192xf32, #tpu.memory_space<vmem>>, vector<1x1024xf32>,
    %get3A_45 = arith.constant 5120 : index
    %get3A_46 = arith.constant 0 : index
    %get3A_47 = vector.load %arg0[%get3A_45, %get3A_46] : memref<8192x256xf32, #tpu.memory_space<vmem>>, vector<1024x256xf32>
    %mul3A_48 = arith.mulf %get3A_47, %get3A_47 : vector<1024x256xf32>
    %reduce_sum3A_49 = arith.constant dense<0.000000e+00> : vector<1024xf32>
    %reduce_sum3A_50 = vector.multi_reduction <add>, %mul3A_48, %reduce_sum3A_49 [1] : vector<1024x256xf32> to vector<1024xf32>
    %broadcast_in_dim3A_51 = vector.shape_cast %reduce_sum3A_50 : vector<1024xf32> to vector<1x1024xf32>
    %swap3A_52 = arith.constant 0 : index
    %swap3A_53 = arith.constant 5120 : index
    %swap3A_54 = vector.load %arg1[%swap3A_52, %swap3A_53] : memref<1x8192xf32, #tpu.memory_space<vmem>>, vector<1x1024xf32>
    tpu.vector_store %arg1[%swap3A_52, %swap3A_53], %broadcast_in_dim3A_51 {strides = array<i32>} : memref<1x8192xf32, #tpu.memory_space<vmem>>, vector<1x1024xf32>,
    %get3A_55 = arith.constant 6144 : index
    %get3A_56 = arith.constant 0 : index
    %get3A_57 = vector.load %arg0[%get3A_55, %get3A_56] : memref<8192x256xf32, #tpu.memory_space<vmem>>, vector<1024x256xf32>
    %mul3A_58 = arith.mulf %get3A_57, %get3A_57 : vector<1024x256xf32>
    %reduce_sum3A_59 = arith.constant dense<0.000000e+00> : vector<1024xf32>
    %reduce_sum3A_60 = vector.multi_reduction <add>, %mul3A_58, %reduce_sum3A_59 [1] : vector<1024x256xf32> to vector<1024xf32>
    %broadcast_in_dim3A_61 = vector.shape_cast %reduce_sum3A_60 : vector<1024xf32> to vector<1x1024xf32>
    %swap3A_62 = arith.constant 0 : index
    %swap3A_63 = arith.constant 6144 : index
    %swap3A_64 = vector.load %arg1[%swap3A_62, %swap3A_63] : memref<1x8192xf32, #tpu.memory_space<vmem>>, vector<1x1024xf32>
    tpu.vector_store %arg1[%swap3A_62, %swap3A_63], %broadcast_in_dim3A_61 {strides = array<i32>} : memref<1x8192xf32, #tpu.memory_space<vmem>>, vector<1x1024xf32>,
    %get3A_65 = arith.constant 7168 : index
    %get3A_66 = arith.constant 0 : index
    %get3A_67 = vector.load %arg0[%get3A_65, %get3A_66] : memref<8192x256xf32, #tpu.memory_space<vmem>>, vector<1024x256xf32>
    %mul3A_68 = arith.mulf %get3A_67, %get3A_67 : vector<1024x256xf32>
    %reduce_sum3A_69 = arith.constant dense<0.000000e+00> : vector<1024xf32>
    %reduce_sum3A_70 = vector.multi_reduction <add>, %mul3A_68, %reduce_sum3A_69 [1] : vector<1024x256xf32> to vector<1024xf32>
    %broadcast_in_dim3A_71 = vector.shape_cast %reduce_sum3A_70 : vector<1024xf32> to vector<1x1024xf32>
    %swap3A_72 = arith.constant 0 : index
    %swap3A_73 = arith.constant 7168 : index
    %swap3A_74 = vector.load %arg1[%swap3A_72, %swap3A_73] : memref<1x8192xf32, #tpu.memory_space<vmem>>, vector<1x1024xf32>
    tpu.vector_store %arg1[%swap3A_72, %swap3A_73], %broadcast_in_dim3A_71 {strides = array<i32>} : memref<1x8192xf32, #tpu.memory_space<vmem>>, vector<1x1024xf32>,
    return
  }
}

module attributes {stable_mosaic.version = 14 : i64} {
  func.func @_vq_kernel(%arg0: i32, %arg1: memref<24xi32, #tpu.memory_space<smem>>, %arg2: memref<24xi32, #tpu.memory_space<smem>>, %arg3: memref<256x256xf32, #tpu.memory_space<vmem>>, %arg4: memref<1x1024x256xf32, #tpu.memory_space<vmem>>, %arg5: memref<1x1x1024xf32, #tpu.memory_space<vmem>>, %arg6: memref<4x2xf32, #tpu.memory_space<vmem>>, %arg7: memref<256x256xf32, #tpu.memory_space<vmem>>, %arg8: memref<256x128xf32, #tpu.memory_space<vmem>>) attributes {dimension_semantics = [#tpu.dimension_semantics<arbitrary>], iteration_bounds = array<i64: 24>, scalar_prefetch = 2 : i64, scratch_operands = 0 : i64, tpu.core_type = #tpu.core_type<tc>, window_params = [{transform_indices = @transform_0, window_bounds = array<i64: 256, 256>}, {transform_indices = @transform_1, window_bounds = array<i64: 1, 1024, 256>}, {transform_indices = @transform_2, window_bounds = array<i64: 1, 1, 1024>}, {pipeline_mode = #tpu.pipeline_mode<synchronous>, transform_indices = @transform_3, window_bounds = array<i64: 4, 2>}, {transform_indices = @transform_4, window_bounds = array<i64: 256, 256>}, {transform_indices = @transform_5, window_bounds = array<i64: 256, 128>}]} {
    %get3A = arith.index_cast %arg0 : i32 to index
    %get3A_0 = memref.load %arg2[%get3A] : memref<24xi32, #tpu.memory_space<smem>>
    %eq3A = arith.constant 1 : i32
    %eq3A_1 = arith.cmpi eq, %get3A_0, %eq3A : i32
    %convert_element_type3A = arith.extui %eq3A_1 : i1 to i32
    %cond3A = arith.constant 0 : i32
    %cond3A_2 = arith.cmpi ne, %convert_element_type3A, %cond3A : i32
    scf.if %cond3A_2 {
      %get3A_3 = arith.constant 0 : index
      %get3A_4 = arith.constant 0 : index
      %get3A_5 = vector.load %arg3[%get3A_3, %get3A_4] : memref<256x256xf32, #tpu.memory_space<vmem>>, vector<256x256xf32>
      %mul3A = arith.mulf %get3A_5, %get3A_5 : vector<256x256xf32>
      %reduce_sum3A = arith.constant dense<0.000000e+00> : vector<256xf32>
      %reduce_sum3A_6 = vector.multi_reduction <add>, %mul3A, %reduce_sum3A [1] : vector<256x256xf32> to vector<256xf32>
      %broadcast_in_dim3A = vector.shape_cast %reduce_sum3A_6 : vector<256xf32> to vector<256x1xf32>
      %get3A_7 = arith.constant 0 : index
      %get3A_8 = arith.constant 0 : index
      %get3A_9 = arith.constant 0 : index
      %get3A_10 = vector.load %arg4[%get3A_7, %get3A_8, %get3A_9] : memref<1x1024x256xf32, #tpu.memory_space<vmem>>, vector<1x1024x256xf32>
      %reshape3A = vector.shape_cast %get3A_10 : vector<1x1024x256xf32> to vector<1024x256xf32>
      %get3A_11 = arith.constant 0 : index
      %get3A_12 = arith.constant 0 : index
      %get3A_13 = arith.constant 0 : index
      %get3A_14 = vector.load %arg5[%get3A_11, %get3A_12, %get3A_13] : memref<1x1x1024xf32, #tpu.memory_space<vmem>>, vector<1x1x1024xf32>
      %reshape3A_15 = vector.shape_cast %get3A_14 : vector<1x1x1024xf32> to vector<1x1024xf32>
      %dot_general3A = arith.constant dense<0.000000e+00> : vector<256x1024xf32>
      %dot_general3A_16 = tpu.matmul %get3A_5, %reshape3A, %dot_general3A {dimension_numbers = #tpu.dot_dimension_numbers<[1], [1], [0], [0], [0, 0, 1, 0], [], []>, transpose_lhs_hint = false} : vector<256x256xf32>, vector<1024x256xf32>, vector<256x1024xf32> -> vector<256x1024xf32>
      %iota3A = tpu.iota {dimensions = array<i32: 1>} : vector<64x128xi32>
      %slice3A = vector.extract_strided_slice %broadcast_in_dim3A {offsets = [0, 0], sizes = [64, 1], strides = [1, 1]} : vector<256x1xf32> to vector<64x1xf32>
      %slice3A_17 = vector.extract_strided_slice %dot_general3A_16 {offsets = [0, 0], sizes = [64, 128], strides = [1, 1]} : vector<256x1024xf32> to vector<64x128xf32>
      %slice3A_18 = vector.extract_strided_slice %reshape3A_15 {offsets = [0, 0], sizes = [1, 128], strides = [1, 1]} : vector<1x1024xf32> to vector<1x128xf32>
      %mul3A_19 = arith.constant 2.000000e+00 : f32
      %mul3A_20 = vector.broadcast %mul3A_19 : f32 to vector<64x128xf32>
      %mul3A_21 = arith.mulf %mul3A_20, %slice3A_17 : vector<64x128xf32>
      %sub3A = vector.broadcast %slice3A : vector<64x1xf32> to vector<64x128xf32>
      %sub3A_22 = arith.subf %sub3A, %mul3A_21 : vector<64x128xf32>
      %add3A = vector.broadcast %slice3A_18 : vector<1x128xf32> to vector<64x128xf32>
      %add3A_23 = arith.addf %sub3A_22, %add3A : vector<64x128xf32>
      %broadcast_in_dim3A_24 = arith.constant 0 : i32
      %broadcast_in_dim3A_25 = vector.broadcast %broadcast_in_dim3A_24 : i32 to vector<64x128xi32>
      %slice3A_26 = vector.extract_strided_slice %dot_general3A_16 {offsets = [0, 128], sizes = [64, 128], strides = [1, 1]} : vector<256x1024xf32> to vector<64x128xf32>
      %slice3A_27 = vector.extract_strided_slice %reshape3A_15 {offsets = [0, 128], sizes = [1, 128], strides = [1, 1]} : vector<1x1024xf32> to vector<1x128xf32>
      %mul3A_28 = arith.constant 2.000000e+00 : f32
      %mul3A_29 = vector.broadcast %mul3A_28 : f32 to vector<64x128xf32>
      %mul3A_30 = arith.mulf %mul3A_29, %slice3A_26 : vector<64x128xf32>
      %sub3A_31 = vector.broadcast %slice3A : vector<64x1xf32> to vector<64x128xf32>
      %sub3A_32 = arith.subf %sub3A_31, %mul3A_30 : vector<64x128xf32>
      %add3A_33 = vector.broadcast %slice3A_27 : vector<1x128xf32> to vector<64x128xf32>
      %add3A_34 = arith.addf %sub3A_32, %add3A_33 : vector<64x128xf32>
      %lt3A = arith.cmpf olt, %add3A_34, %add3A_23 : vector<64x128xf32>
      %jit3A = arith.constant 1 : i32
      %broadcast_in_dim3A_35 = vector.broadcast %jit3A : i32 to vector<64x128xi32>
      %select_n3A = arith.select %lt3A, %broadcast_in_dim3A_35, %broadcast_in_dim3A_25 : vector<64x128xi1>, vector<64x128xi32>
      %select_n3A_36 = arith.select %lt3A, %add3A_34, %add3A_23 : vector<64x128xi1>, vector<64x128xf32>
      %slice3A_37 = vector.extract_strided_slice %dot_general3A_16 {offsets = [0, 256], sizes = [64, 128], strides = [1, 1]} : vector<256x1024xf32> to vector<64x128xf32>
      %slice3A_38 = vector.extract_strided_slice %reshape3A_15 {offsets = [0, 256], sizes = [1, 128], strides = [1, 1]} : vector<1x1024xf32> to vector<1x128xf32>
      %mul3A_39 = arith.constant 2.000000e+00 : f32
      %mul3A_40 = vector.broadcast %mul3A_39 : f32 to vector<64x128xf32>
      %mul3A_41 = arith.mulf %mul3A_40, %slice3A_37 : vector<64x128xf32>
      %sub3A_42 = vector.broadcast %slice3A : vector<64x1xf32> to vector<64x128xf32>
      %sub3A_43 = arith.subf %sub3A_42, %mul3A_41 : vector<64x128xf32>
      %add3A_44 = vector.broadcast %slice3A_38 : vector<1x128xf32> to vector<64x128xf32>
      %add3A_45 = arith.addf %sub3A_43, %add3A_44 : vector<64x128xf32>
      %lt3A_46 = arith.cmpf olt, %add3A_45, %select_n3A_36 : vector<64x128xf32>
      %jit3A_47 = arith.constant 2 : i32
      %broadcast_in_dim3A_48 = vector.broadcast %jit3A_47 : i32 to vector<64x128xi32>
      %select_n3A_49 = arith.select %lt3A_46, %broadcast_in_dim3A_48, %select_n3A : vector<64x128xi1>, vector<64x128xi32>
      %select_n3A_50 = arith.select %lt3A_46, %add3A_45, %select_n3A_36 : vector<64x128xi1>, vector<64x128xf32>
      %slice3A_51 = vector.extract_strided_slice %dot_general3A_16 {offsets = [0, 384], sizes = [64, 128], strides = [1, 1]} : vector<256x1024xf32> to vector<64x128xf32>
      %slice3A_52 = vector.extract_strided_slice %reshape3A_15 {offsets = [0, 384], sizes = [1, 128], strides = [1, 1]} : vector<1x1024xf32> to vector<1x128xf32>
      %mul3A_53 = arith.constant 2.000000e+00 : f32
      %mul3A_54 = vector.broadcast %mul3A_53 : f32 to vector<64x128xf32>
      %mul3A_55 = arith.mulf %mul3A_54, %slice3A_51 : vector<64x128xf32>
      %sub3A_56 = vector.broadcast %slice3A : vector<64x1xf32> to vector<64x128xf32>
      %sub3A_57 = arith.subf %sub3A_56, %mul3A_55 : vector<64x128xf32>
      %add3A_58 = vector.broadcast %slice3A_52 : vector<1x128xf32> to vector<64x128xf32>
      %add3A_59 = arith.addf %sub3A_57, %add3A_58 : vector<64x128xf32>
      %lt3A_60 = arith.cmpf olt, %add3A_59, %select_n3A_50 : vector<64x128xf32>
      %jit3A_61 = arith.constant 3 : i32
      %broadcast_in_dim3A_62 = vector.broadcast %jit3A_61 : i32 to vector<64x128xi32>
      %select_n3A_63 = arith.select %lt3A_60, %broadcast_in_dim3A_62, %select_n3A_49 : vector<64x128xi1>, vector<64x128xi32>
      %select_n3A_64 = arith.select %lt3A_60, %add3A_59, %select_n3A_50 : vector<64x128xi1>, vector<64x128xf32>
      %slice3A_65 = vector.extract_strided_slice %dot_general3A_16 {offsets = [0, 512], sizes = [64, 128], strides = [1, 1]} : vector<256x1024xf32> to vector<64x128xf32>
      %slice3A_66 = vector.extract_strided_slice %reshape3A_15 {offsets = [0, 512], sizes = [1, 128], strides = [1, 1]} : vector<1x1024xf32> to vector<1x128xf32>
      %mul3A_67 = arith.constant 2.000000e+00 : f32
      %mul3A_68 = vector.broadcast %mul3A_67 : f32 to vector<64x128xf32>
      %mul3A_69 = arith.mulf %mul3A_68, %slice3A_65 : vector<64x128xf32>
      %sub3A_70 = vector.broadcast %slice3A : vector<64x1xf32> to vector<64x128xf32>
      %sub3A_71 = arith.subf %sub3A_70, %mul3A_69 : vector<64x128xf32>
      %add3A_72 = vector.broadcast %slice3A_66 : vector<1x128xf32> to vector<64x128xf32>
      %add3A_73 = arith.addf %sub3A_71, %add3A_72 : vector<64x128xf32>
      %lt3A_74 = arith.cmpf olt, %add3A_73, %select_n3A_64 : vector<64x128xf32>
      %jit3A_75 = arith.constant 4 : i32
      %broadcast_in_dim3A_76 = vector.broadcast %jit3A_75 : i32 to vector<64x128xi32>
      %select_n3A_77 = arith.select %lt3A_74, %broadcast_in_dim3A_76, %select_n3A_63 : vector<64x128xi1>, vector<64x128xi32>
      %select_n3A_78 = arith.select %lt3A_74, %add3A_73, %select_n3A_64 : vector<64x128xi1>, vector<64x128xf32>
      %slice3A_79 = vector.extract_strided_slice %dot_general3A_16 {offsets = [0, 640], sizes = [64, 128], strides = [1, 1]} : vector<256x1024xf32> to vector<64x128xf32>
      %slice3A_80 = vector.extract_strided_slice %reshape3A_15 {offsets = [0, 640], sizes = [1, 128], strides = [1, 1]} : vector<1x1024xf32> to vector<1x128xf32>
      %mul3A_81 = arith.constant 2.000000e+00 : f32
      %mul3A_82 = vector.broadcast %mul3A_81 : f32 to vector<64x128xf32>
      %mul3A_83 = arith.mulf %mul3A_82, %slice3A_79 : vector<64x128xf32>
      %sub3A_84 = vector.broadcast %slice3A : vector<64x1xf32> to vector<64x128xf32>
      %sub3A_85 = arith.subf %sub3A_84, %mul3A_83 : vector<64x128xf32>
      %add3A_86 = vector.broadcast %slice3A_80 : vector<1x128xf32> to vector<64x128xf32>
      %add3A_87 = arith.addf %sub3A_85, %add3A_86 : vector<64x128xf32>
      %lt3A_88 = arith.cmpf olt, %add3A_87, %select_n3A_78 : vector<64x128xf32>
      %jit3A_89 = arith.constant 5 : i32
      %broadcast_in_dim3A_90 = vector.broadcast %jit3A_89 : i32 to vector<64x128xi32>
      %select_n3A_91 = arith.select %lt3A_88, %broadcast_in_dim3A_90, %select_n3A_77 : vector<64x128xi1>, vector<64x128xi32>
      %select_n3A_92 = arith.select %lt3A_88, %add3A_87, %select_n3A_78 : vector<64x128xi1>, vector<64x128xf32>
      %slice3A_93 = vector.extract_strided_slice %dot_general3A_16 {offsets = [0, 768], sizes = [64, 128], strides = [1, 1]} : vector<256x1024xf32> to vector<64x128xf32>
      %slice3A_94 = vector.extract_strided_slice %reshape3A_15 {offsets = [0, 768], sizes = [1, 128], strides = [1, 1]} : vector<1x1024xf32> to vector<1x128xf32>
      %mul3A_95 = arith.constant 2.000000e+00 : f32
      %mul3A_96 = vector.broadcast %mul3A_95 : f32 to vector<64x128xf32>
      %mul3A_97 = arith.mulf %mul3A_96, %slice3A_93 : vector<64x128xf32>
      %sub3A_98 = vector.broadcast %slice3A : vector<64x1xf32> to vector<64x128xf32>
      %sub3A_99 = arith.subf %sub3A_98, %mul3A_97 : vector<64x128xf32>
      %add3A_100 = vector.broadcast %slice3A_94 : vector<1x128xf32> to vector<64x128xf32>
      %add3A_101 = arith.addf %sub3A_99, %add3A_100 : vector<64x128xf32>
      %lt3A_102 = arith.cmpf olt, %add3A_101, %select_n3A_92 : vector<64x128xf32>
      %jit3A_103 = arith.constant 6 : i32
      %broadcast_in_dim3A_104 = vector.broadcast %jit3A_103 : i32 to vector<64x128xi32>
      %select_n3A_105 = arith.select %lt3A_102, %broadcast_in_dim3A_104, %select_n3A_91 : vector<64x128xi1>, vector<64x128xi32>
      %select_n3A_106 = arith.select %lt3A_102, %add3A_101, %select_n3A_92 : vector<64x128xi1>, vector<64x128xf32>
      %slice3A_107 = vector.extract_strided_slice %dot_general3A_16 {offsets = [0, 896], sizes = [64, 128], strides = [1, 1]} : vector<256x1024xf32> to vector<64x128xf32>
      %slice3A_108 = vector.extract_strided_slice %reshape3A_15 {offsets = [0, 896], sizes = [1, 128], strides = [1, 1]} : vector<1x1024xf32> to vector<1x128xf32>
      %mul3A_109 = arith.constant 2.000000e+00 : f32
      %mul3A_110 = vector.broadcast %mul3A_109 : f32 to vector<64x128xf32>
      %mul3A_111 = arith.mulf %mul3A_110, %slice3A_107 : vector<64x128xf32>
      %sub3A_112 = vector.broadcast %slice3A : vector<64x1xf32> to vector<64x128xf32>
      %sub3A_113 = arith.subf %sub3A_112, %mul3A_111 : vector<64x128xf32>
      %add3A_114 = vector.broadcast %slice3A_108 : vector<1x128xf32> to vector<64x128xf32>
      %add3A_115 = arith.addf %sub3A_113, %add3A_114 : vector<64x128xf32>
      %lt3A_116 = arith.cmpf olt, %add3A_115, %select_n3A_106 : vector<64x128xf32>
      %jit3A_117 = arith.constant 7 : i32
      %broadcast_in_dim3A_118 = vector.broadcast %jit3A_117 : i32 to vector<64x128xi32>
      %select_n3A_119 = arith.select %lt3A_116, %broadcast_in_dim3A_118, %select_n3A_105 : vector<64x128xi1>, vector<64x128xi32>
      %select_n3A_120 = arith.select %lt3A_116, %add3A_115, %select_n3A_106 : vector<64x128xi1>, vector<64x128xf32>
      %reduce_min3A = arith.constant dense<0x7F800000> : vector<64xf32>
      %reduce_min3A_121 = vector.multi_reduction <minimumf>, %select_n3A_120, %reduce_min3A [1] : vector<64x128xf32> to vector<64xf32>
      %broadcast_in_dim3A_122 = vector.shape_cast %reduce_min3A_121 : vector<64xf32> to vector<64x1xf32>
      %mul3A_123 = arith.constant 128 : i32
      %mul3A_124 = vector.broadcast %mul3A_123 : i32 to vector<64x128xi32>
      %mul3A_125 = arith.muli %select_n3A_119, %mul3A_124 : vector<64x128xi32>
      %add3A_126 = arith.addi %mul3A_125, %iota3A : vector<64x128xi32>
      %eq3A_127 = vector.broadcast %broadcast_in_dim3A_122 : vector<64x1xf32> to vector<64x128xf32>
      %eq3A_128 = arith.cmpf oeq, %select_n3A_120, %eq3A_127 : vector<64x128xf32>
      %jit3A_129 = arith.constant 1024 : i32
      %broadcast_in_dim3A_130 = vector.broadcast %jit3A_129 : i32 to vector<64x128xi32>
      %select_n3A_131 = arith.select %eq3A_128, %add3A_126, %broadcast_in_dim3A_130 : vector<64x128xi1>, vector<64x128xi32>
      %reduce_min3A_132 = arith.constant dense<2147483647> : vector<64xi32>
      %reduce_min3A_133 = vector.multi_reduction <minsi>, %select_n3A_131, %reduce_min3A_132 [1] : vector<64x128xi32> to vector<64xi32>
      %broadcast_in_dim3A_134 = vector.shape_cast %reduce_min3A_133 : vector<64xi32> to vector<64x1xi32>
      %slice3A_135 = vector.extract_strided_slice %broadcast_in_dim3A {offsets = [64, 0], sizes = [64, 1], strides = [1, 1]} : vector<256x1xf32> to vector<64x1xf32>
      %slice3A_136 = vector.extract_strided_slice %dot_general3A_16 {offsets = [64, 0], sizes = [64, 128], strides = [1, 1]} : vector<256x1024xf32> to vector<64x128xf32>
      %slice3A_137 = vector.extract_strided_slice %reshape3A_15 {offsets = [0, 0], sizes = [1, 128], strides = [1, 1]} : vector<1x1024xf32> to vector<1x128xf32>
      %mul3A_138 = arith.constant 2.000000e+00 : f32
      %mul3A_139 = vector.broadcast %mul3A_138 : f32 to vector<64x128xf32>
      %mul3A_140 = arith.mulf %mul3A_139, %slice3A_136 : vector<64x128xf32>
      %sub3A_141 = vector.broadcast %slice3A_135 : vector<64x1xf32> to vector<64x128xf32>
      %sub3A_142 = arith.subf %sub3A_141, %mul3A_140 : vector<64x128xf32>
      %add3A_143 = vector.broadcast %slice3A_137 : vector<1x128xf32> to vector<64x128xf32>
      %add3A_144 = arith.addf %sub3A_142, %add3A_143 : vector<64x128xf32>
      %broadcast_in_dim3A_145 = arith.constant 0 : i32
      %broadcast_in_dim3A_146 = vector.broadcast %broadcast_in_dim3A_145 : i32 to vector<64x128xi32>
      %slice3A_147 = vector.extract_strided_slice %dot_general3A_16 {offsets = [64, 128], sizes = [64, 128], strides = [1, 1]} : vector<256x1024xf32> to vector<64x128xf32>
      %slice3A_148 = vector.extract_strided_slice %reshape3A_15 {offsets = [0, 128], sizes = [1, 128], strides = [1, 1]} : vector<1x1024xf32> to vector<1x128xf32>
      %mul3A_149 = arith.constant 2.000000e+00 : f32
      %mul3A_150 = vector.broadcast %mul3A_149 : f32 to vector<64x128xf32>
      %mul3A_151 = arith.mulf %mul3A_150, %slice3A_147 : vector<64x128xf32>
      %sub3A_152 = vector.broadcast %slice3A_135 : vector<64x1xf32> to vector<64x128xf32>
      %sub3A_153 = arith.subf %sub3A_152, %mul3A_151 : vector<64x128xf32>
      %add3A_154 = vector.broadcast %slice3A_148 : vector<1x128xf32> to vector<64x128xf32>
      %add3A_155 = arith.addf %sub3A_153, %add3A_154 : vector<64x128xf32>
      %lt3A_156 = arith.cmpf olt, %add3A_155, %add3A_144 : vector<64x128xf32>
      %jit3A_157 = arith.constant 1 : i32
      %broadcast_in_dim3A_158 = vector.broadcast %jit3A_157 : i32 to vector<64x128xi32>
      %select_n3A_159 = arith.select %lt3A_156, %broadcast_in_dim3A_158, %broadcast_in_dim3A_146 : vector<64x128xi1>, vector<64x128xi32>
      %select_n3A_160 = arith.select %lt3A_156, %add3A_155, %add3A_144 : vector<64x128xi1>, vector<64x128xf32>
      %slice3A_161 = vector.extract_strided_slice %dot_general3A_16 {offsets = [64, 256], sizes = [64, 128], strides = [1, 1]} : vector<256x1024xf32> to vector<64x128xf32>
      %slice3A_162 = vector.extract_strided_slice %reshape3A_15 {offsets = [0, 256], sizes = [1, 128], strides = [1, 1]} : vector<1x1024xf32> to vector<1x128xf32>
      %mul3A_163 = arith.constant 2.000000e+00 : f32
      %mul3A_164 = vector.broadcast %mul3A_163 : f32 to vector<64x128xf32>
      %mul3A_165 = arith.mulf %mul3A_164, %slice3A_161 : vector<64x128xf32>
      %sub3A_166 = vector.broadcast %slice3A_135 : vector<64x1xf32> to vector<64x128xf32>
      %sub3A_167 = arith.subf %sub3A_166, %mul3A_165 : vector<64x128xf32>
      %add3A_168 = vector.broadcast %slice3A_162 : vector<1x128xf32> to vector<64x128xf32>
      %add3A_169 = arith.addf %sub3A_167, %add3A_168 : vector<64x128xf32>
      %lt3A_170 = arith.cmpf olt, %add3A_169, %select_n3A_160 : vector<64x128xf32>
      %jit3A_171 = arith.constant 2 : i32
      %broadcast_in_dim3A_172 = vector.broadcast %jit3A_171 : i32 to vector<64x128xi32>
      %select_n3A_173 = arith.select %lt3A_170, %broadcast_in_dim3A_172, %select_n3A_159 : vector<64x128xi1>, vector<64x128xi32>
      %select_n3A_174 = arith.select %lt3A_170, %add3A_169, %select_n3A_160 : vector<64x128xi1>, vector<64x128xf32>
      %slice3A_175 = vector.extract_strided_slice %dot_general3A_16 {offsets = [64, 384], sizes = [64, 128], strides = [1, 1]} : vector<256x1024xf32> to vector<64x128xf32>
      %slice3A_176 = vector.extract_strided_slice %reshape3A_15 {offsets = [0, 384], sizes = [1, 128], strides = [1, 1]} : vector<1x1024xf32> to vector<1x128xf32>
      %mul3A_177 = arith.constant 2.000000e+00 : f32
      %mul3A_178 = vector.broadcast %mul3A_177 : f32 to vector<64x128xf32>
      %mul3A_179 = arith.mulf %mul3A_178, %slice3A_175 : vector<64x128xf32>
      %sub3A_180 = vector.broadcast %slice3A_135 : vector<64x1xf32> to vector<64x128xf32>
      %sub3A_181 = arith.subf %sub3A_180, %mul3A_179 : vector<64x128xf32>
      %add3A_182 = vector.broadcast %slice3A_176 : vector<1x128xf32> to vector<64x128xf32>
      %add3A_183 = arith.addf %sub3A_181, %add3A_182 : vector<64x128xf32>
      %lt3A_184 = arith.cmpf olt, %add3A_183, %select_n3A_174 : vector<64x128xf32>
      %jit3A_185 = arith.constant 3 : i32
      %broadcast_in_dim3A_186 = vector.broadcast %jit3A_185 : i32 to vector<64x128xi32>
      %select_n3A_187 = arith.select %lt3A_184, %broadcast_in_dim3A_186, %select_n3A_173 : vector<64x128xi1>, vector<64x128xi32>
      %select_n3A_188 = arith.select %lt3A_184, %add3A_183, %select_n3A_174 : vector<64x128xi1>, vector<64x128xf32>
      %slice3A_189 = vector.extract_strided_slice %dot_general3A_16 {offsets = [64, 512], sizes = [64, 128], strides = [1, 1]} : vector<256x1024xf32> to vector<64x128xf32>
      %slice3A_190 = vector.extract_strided_slice %reshape3A_15 {offsets = [0, 512], sizes = [1, 128], strides = [1, 1]} : vector<1x1024xf32> to vector<1x128xf32>
      %mul3A_191 = arith.constant 2.000000e+00 : f32
      %mul3A_192 = vector.broadcast %mul3A_191 : f32 to vector<64x128xf32>
      %mul3A_193 = arith.mulf %mul3A_192, %slice3A_189 : vector<64x128xf32>
      %sub3A_194 = vector.broadcast %slice3A_135 : vector<64x1xf32> to vector<64x128xf32>
      %sub3A_195 = arith.subf %sub3A_194, %mul3A_193 : vector<64x128xf32>
      %add3A_196 = vector.broadcast %slice3A_190 : vector<1x128xf32> to vector<64x128xf32>
      %add3A_197 = arith.addf %sub3A_195, %add3A_196 : vector<64x128xf32>
      %lt3A_198 = arith.cmpf olt, %add3A_197, %select_n3A_188 : vector<64x128xf32>
      %jit3A_199 = arith.constant 4 : i32
      %broadcast_in_dim3A_200 = vector.broadcast %jit3A_199 : i32 to vector<64x128xi32>
      %select_n3A_201 = arith.select %lt3A_198, %broadcast_in_dim3A_200, %select_n3A_187 : vector<64x128xi1>, vector<64x128xi32>
      %select_n3A_202 = arith.select %lt3A_198, %add3A_197, %select_n3A_188 : vector<64x128xi1>, vector<64x128xf32>
      %slice3A_203 = vector.extract_strided_slice %dot_general3A_16 {offsets = [64, 640], sizes = [64, 128], strides = [1, 1]} : vector<256x1024xf32> to vector<64x128xf32>
      %slice3A_204 = vector.extract_strided_slice %reshape3A_15 {offsets = [0, 640], sizes = [1, 128], strides = [1, 1]} : vector<1x1024xf32> to vector<1x128xf32>
      %mul3A_205 = arith.constant 2.000000e+00 : f32
      %mul3A_206 = vector.broadcast %mul3A_205 : f32 to vector<64x128xf32>
      %mul3A_207 = arith.mulf %mul3A_206, %slice3A_203 : vector<64x128xf32>
      %sub3A_208 = vector.broadcast %slice3A_135 : vector<64x1xf32> to vector<64x128xf32>
      %sub3A_209 = arith.subf %sub3A_208, %mul3A_207 : vector<64x128xf32>
      %add3A_210 = vector.broadcast %slice3A_204 : vector<1x128xf32> to vector<64x128xf32>
      %add3A_211 = arith.addf %sub3A_209, %add3A_210 : vector<64x128xf32>
      %lt3A_212 = arith.cmpf olt, %add3A_211, %select_n3A_202 : vector<64x128xf32>
      %jit3A_213 = arith.constant 5 : i32
      %broadcast_in_dim3A_214 = vector.broadcast %jit3A_213 : i32 to vector<64x128xi32>
      %select_n3A_215 = arith.select %lt3A_212, %broadcast_in_dim3A_214, %select_n3A_201 : vector<64x128xi1>, vector<64x128xi32>
      %select_n3A_216 = arith.select %lt3A_212, %add3A_211, %select_n3A_202 : vector<64x128xi1>, vector<64x128xf32>
      %slice3A_217 = vector.extract_strided_slice %dot_general3A_16 {offsets = [64, 768], sizes = [64, 128], strides = [1, 1]} : vector<256x1024xf32> to vector<64x128xf32>
      %slice3A_218 = vector.extract_strided_slice %reshape3A_15 {offsets = [0, 768], sizes = [1, 128], strides = [1, 1]} : vector<1x1024xf32> to vector<1x128xf32>
      %mul3A_219 = arith.constant 2.000000e+00 : f32
      %mul3A_220 = vector.broadcast %mul3A_219 : f32 to vector<64x128xf32>
      %mul3A_221 = arith.mulf %mul3A_220, %slice3A_217 : vector<64x128xf32>
      %sub3A_222 = vector.broadcast %slice3A_135 : vector<64x1xf32> to vector<64x128xf32>
      %sub3A_223 = arith.subf %sub3A_222, %mul3A_221 : vector<64x128xf32>
      %add3A_224 = vector.broadcast %slice3A_218 : vector<1x128xf32> to vector<64x128xf32>
      %add3A_225 = arith.addf %sub3A_223, %add3A_224 : vector<64x128xf32>
      %lt3A_226 = arith.cmpf olt, %add3A_225, %select_n3A_216 : vector<64x128xf32>
      %jit3A_227 = arith.constant 6 : i32
      %broadcast_in_dim3A_228 = vector.broadcast %jit3A_227 : i32 to vector<64x128xi32>
      %select_n3A_229 = arith.select %lt3A_226, %broadcast_in_dim3A_228, %select_n3A_215 : vector<64x128xi1>, vector<64x128xi32>
      %select_n3A_230 = arith.select %lt3A_226, %add3A_225, %select_n3A_216 : vector<64x128xi1>, vector<64x128xf32>
      %slice3A_231 = vector.extract_strided_slice %dot_general3A_16 {offsets = [64, 896], sizes = [64, 128], strides = [1, 1]} : vector<256x1024xf32> to vector<64x128xf32>
      %slice3A_232 = vector.extract_strided_slice %reshape3A_15 {offsets = [0, 896], sizes = [1, 128], strides = [1, 1]} : vector<1x1024xf32> to vector<1x128xf32>
      %mul3A_233 = arith.constant 2.000000e+00 : f32
      %mul3A_234 = vector.broadcast %mul3A_233 : f32 to vector<64x128xf32>
      %mul3A_235 = arith.mulf %mul3A_234, %slice3A_231 : vector<64x128xf32>
      %sub3A_236 = vector.broadcast %slice3A_135 : vector<64x1xf32> to vector<64x128xf32>
      %sub3A_237 = arith.subf %sub3A_236, %mul3A_235 : vector<64x128xf32>
      %add3A_238 = vector.broadcast %slice3A_232 : vector<1x128xf32> to vector<64x128xf32>
      %add3A_239 = arith.addf %sub3A_237, %add3A_238 : vector<64x128xf32>
      %lt3A_240 = arith.cmpf olt, %add3A_239, %select_n3A_230 : vector<64x128xf32>
      %jit3A_241 = arith.constant 7 : i32
      %broadcast_in_dim3A_242 = vector.broadcast %jit3A_241 : i32 to vector<64x128xi32>
      %select_n3A_243 = arith.select %lt3A_240, %broadcast_in_dim3A_242, %select_n3A_229 : vector<64x128xi1>, vector<64x128xi32>
      %select_n3A_244 = arith.select %lt3A_240, %add3A_239, %select_n3A_230 : vector<64x128xi1>, vector<64x128xf32>
      %reduce_min3A_245 = arith.constant dense<0x7F800000> : vector<64xf32>
      %reduce_min3A_246 = vector.multi_reduction <minimumf>, %select_n3A_244, %reduce_min3A_245 [1] : vector<64x128xf32> to vector<64xf32>
      %broadcast_in_dim3A_247 = vector.shape_cast %reduce_min3A_246 : vector<64xf32> to vector<64x1xf32>
      %mul3A_248 = arith.constant 128 : i32
      %mul3A_249 = vector.broadcast %mul3A_248 : i32 to vector<64x128xi32>
      %mul3A_250 = arith.muli %select_n3A_243, %mul3A_249 : vector<64x128xi32>
      %add3A_251 = arith.addi %mul3A_250, %iota3A : vector<64x128xi32>
      %eq3A_252 = vector.broadcast %broadcast_in_dim3A_247 : vector<64x1xf32> to vector<64x128xf32>
      %eq3A_253 = arith.cmpf oeq, %select_n3A_244, %eq3A_252 : vector<64x128xf32>
      %jit3A_254 = arith.constant 1024 : i32
      %broadcast_in_dim3A_255 = vector.broadcast %jit3A_254 : i32 to vector<64x128xi32>
      %select_n3A_256 = arith.select %eq3A_253, %add3A_251, %broadcast_in_dim3A_255 : vector<64x128xi1>, vector<64x128xi32>
      %reduce_min3A_257 = arith.constant dense<2147483647> : vector<64xi32>
      %reduce_min3A_258 = vector.multi_reduction <minsi>, %select_n3A_256, %reduce_min3A_257 [1] : vector<64x128xi32> to vector<64xi32>
      %broadcast_in_dim3A_259 = vector.shape_cast %reduce_min3A_258 : vector<64xi32> to vector<64x1xi32>
      %slice3A_260 = vector.extract_strided_slice %broadcast_in_dim3A {offsets = [128, 0], sizes = [64, 1], strides = [1, 1]} : vector<256x1xf32> to vector<64x1xf32>
      %slice3A_261 = vector.extract_strided_slice %dot_general3A_16 {offsets = [128, 0], sizes = [64, 128], strides = [1, 1]} : vector<256x1024xf32> to vector<64x128xf32>
      %slice3A_262 = vector.extract_strided_slice %reshape3A_15 {offsets = [0, 0], sizes = [1, 128], strides = [1, 1]} : vector<1x1024xf32> to vector<1x128xf32>
      %mul3A_263 = arith.constant 2.000000e+00 : f32
      %mul3A_264 = vector.broadcast %mul3A_263 : f32 to vector<64x128xf32>
      %mul3A_265 = arith.mulf %mul3A_264, %slice3A_261 : vector<64x128xf32>
      %sub3A_266 = vector.broadcast %slice3A_260 : vector<64x1xf32> to vector<64x128xf32>
      %sub3A_267 = arith.subf %sub3A_266, %mul3A_265 : vector<64x128xf32>
      %add3A_268 = vector.broadcast %slice3A_262 : vector<1x128xf32> to vector<64x128xf32>
      %add3A_269 = arith.addf %sub3A_267, %add3A_268 : vector<64x128xf32>
      %broadcast_in_dim3A_270 = arith.constant 0 : i32
      %broadcast_in_dim3A_271 = vector.broadcast %broadcast_in_dim3A_270 : i32 to vector<64x128xi32>
      %slice3A_272 = vector.extract_strided_slice %dot_general3A_16 {offsets = [128, 128], sizes = [64, 128], strides = [1, 1]} : vector<256x1024xf32> to vector<64x128xf32>
      %slice3A_273 = vector.extract_strided_slice %reshape3A_15 {offsets = [0, 128], sizes = [1, 128], strides = [1, 1]} : vector<1x1024xf32> to vector<1x128xf32>
      %mul3A_274 = arith.constant 2.000000e+00 : f32
      %mul3A_275 = vector.broadcast %mul3A_274 : f32 to vector<64x128xf32>
      %mul3A_276 = arith.mulf %mul3A_275, %slice3A_272 : vector<64x128xf32>
      %sub3A_277 = vector.broadcast %slice3A_260 : vector<64x1xf32> to vector<64x128xf32>
      %sub3A_278 = arith.subf %sub3A_277, %mul3A_276 : vector<64x128xf32>
      %add3A_279 = vector.broadcast %slice3A_273 : vector<1x128xf32> to vector<64x128xf32>
      %add3A_280 = arith.addf %sub3A_278, %add3A_279 : vector<64x128xf32>
      %lt3A_281 = arith.cmpf olt, %add3A_280, %add3A_269 : vector<64x128xf32>
      %jit3A_282 = arith.constant 1 : i32
      %broadcast_in_dim3A_283 = vector.broadcast %jit3A_282 : i32 to vector<64x128xi32>
      %select_n3A_284 = arith.select %lt3A_281, %broadcast_in_dim3A_283, %broadcast_in_dim3A_271 : vector<64x128xi1>, vector<64x128xi32>
      %select_n3A_285 = arith.select %lt3A_281, %add3A_280, %add3A_269 : vector<64x128xi1>, vector<64x128xf32>
      %slice3A_286 = vector.extract_strided_slice %dot_general3A_16 {offsets = [128, 256], sizes = [64, 128], strides = [1, 1]} : vector<256x1024xf32> to vector<64x128xf32>
      %slice3A_287 = vector.extract_strided_slice %reshape3A_15 {offsets = [0, 256], sizes = [1, 128], strides = [1, 1]} : vector<1x1024xf32> to vector<1x128xf32>
      %mul3A_288 = arith.constant 2.000000e+00 : f32
      %mul3A_289 = vector.broadcast %mul3A_288 : f32 to vector<64x128xf32>
      %mul3A_290 = arith.mulf %mul3A_289, %slice3A_286 : vector<64x128xf32>
      %sub3A_291 = vector.broadcast %slice3A_260 : vector<64x1xf32> to vector<64x128xf32>
      %sub3A_292 = arith.subf %sub3A_291, %mul3A_290 : vector<64x128xf32>
      %add3A_293 = vector.broadcast %slice3A_287 : vector<1x128xf32> to vector<64x128xf32>
      %add3A_294 = arith.addf %sub3A_292, %add3A_293 : vector<64x128xf32>
      %lt3A_295 = arith.cmpf olt, %add3A_294, %select_n3A_285 : vector<64x128xf32>
      %jit3A_296 = arith.constant 2 : i32
      %broadcast_in_dim3A_297 = vector.broadcast %jit3A_296 : i32 to vector<64x128xi32>
      %select_n3A_298 = arith.select %lt3A_295, %broadcast_in_dim3A_297, %select_n3A_284 : vector<64x128xi1>, vector<64x128xi32>
      %select_n3A_299 = arith.select %lt3A_295, %add3A_294, %select_n3A_285 : vector<64x128xi1>, vector<64x128xf32>
      %slice3A_300 = vector.extract_strided_slice %dot_general3A_16 {offsets = [128, 384], sizes = [64, 128], strides = [1, 1]} : vector<256x1024xf32> to vector<64x128xf32>
      %slice3A_301 = vector.extract_strided_slice %reshape3A_15 {offsets = [0, 384], sizes = [1, 128], strides = [1, 1]} : vector<1x1024xf32> to vector<1x128xf32>
      %mul3A_302 = arith.constant 2.000000e+00 : f32
      %mul3A_303 = vector.broadcast %mul3A_302 : f32 to vector<64x128xf32>
      %mul3A_304 = arith.mulf %mul3A_303, %slice3A_300 : vector<64x128xf32>
      %sub3A_305 = vector.broadcast %slice3A_260 : vector<64x1xf32> to vector<64x128xf32>
      %sub3A_306 = arith.subf %sub3A_305, %mul3A_304 : vector<64x128xf32>
      %add3A_307 = vector.broadcast %slice3A_301 : vector<1x128xf32> to vector<64x128xf32>
      %add3A_308 = arith.addf %sub3A_306, %add3A_307 : vector<64x128xf32>
      %lt3A_309 = arith.cmpf olt, %add3A_308, %select_n3A_299 : vector<64x128xf32>
      %jit3A_310 = arith.constant 3 : i32
      %broadcast_in_dim3A_311 = vector.broadcast %jit3A_310 : i32 to vector<64x128xi32>
      %select_n3A_312 = arith.select %lt3A_309, %broadcast_in_dim3A_311, %select_n3A_298 : vector<64x128xi1>, vector<64x128xi32>
      %select_n3A_313 = arith.select %lt3A_309, %add3A_308, %select_n3A_299 : vector<64x128xi1>, vector<64x128xf32>
      %slice3A_314 = vector.extract_strided_slice %dot_general3A_16 {offsets = [128, 512], sizes = [64, 128], strides = [1, 1]} : vector<256x1024xf32> to vector<64x128xf32>
      %slice3A_315 = vector.extract_strided_slice %reshape3A_15 {offsets = [0, 512], sizes = [1, 128], strides = [1, 1]} : vector<1x1024xf32> to vector<1x128xf32>
      %mul3A_316 = arith.constant 2.000000e+00 : f32
      %mul3A_317 = vector.broadcast %mul3A_316 : f32 to vector<64x128xf32>
      %mul3A_318 = arith.mulf %mul3A_317, %slice3A_314 : vector<64x128xf32>
      %sub3A_319 = vector.broadcast %slice3A_260 : vector<64x1xf32> to vector<64x128xf32>
      %sub3A_320 = arith.subf %sub3A_319, %mul3A_318 : vector<64x128xf32>
      %add3A_321 = vector.broadcast %slice3A_315 : vector<1x128xf32> to vector<64x128xf32>
      %add3A_322 = arith.addf %sub3A_320, %add3A_321 : vector<64x128xf32>
      %lt3A_323 = arith.cmpf olt, %add3A_322, %select_n3A_313 : vector<64x128xf32>
      %jit3A_324 = arith.constant 4 : i32
      %broadcast_in_dim3A_325 = vector.broadcast %jit3A_324 : i32 to vector<64x128xi32>
      %select_n3A_326 = arith.select %lt3A_323, %broadcast_in_dim3A_325, %select_n3A_312 : vector<64x128xi1>, vector<64x128xi32>
      %select_n3A_327 = arith.select %lt3A_323, %add3A_322, %select_n3A_313 : vector<64x128xi1>, vector<64x128xf32>
      %slice3A_328 = vector.extract_strided_slice %dot_general3A_16 {offsets = [128, 640], sizes = [64, 128], strides = [1, 1]} : vector<256x1024xf32> to vector<64x128xf32>
      %slice3A_329 = vector.extract_strided_slice %reshape3A_15 {offsets = [0, 640], sizes = [1, 128], strides = [1, 1]} : vector<1x1024xf32> to vector<1x128xf32>
      %mul3A_330 = arith.constant 2.000000e+00 : f32
      %mul3A_331 = vector.broadcast %mul3A_330 : f32 to vector<64x128xf32>
      %mul3A_332 = arith.mulf %mul3A_331, %slice3A_328 : vector<64x128xf32>
      %sub3A_333 = vector.broadcast %slice3A_260 : vector<64x1xf32> to vector<64x128xf32>
      %sub3A_334 = arith.subf %sub3A_333, %mul3A_332 : vector<64x128xf32>
      %add3A_335 = vector.broadcast %slice3A_329 : vector<1x128xf32> to vector<64x128xf32>
      %add3A_336 = arith.addf %sub3A_334, %add3A_335 : vector<64x128xf32>
      %lt3A_337 = arith.cmpf olt, %add3A_336, %select_n3A_327 : vector<64x128xf32>
      %jit3A_338 = arith.constant 5 : i32
      %broadcast_in_dim3A_339 = vector.broadcast %jit3A_338 : i32 to vector<64x128xi32>
      %select_n3A_340 = arith.select %lt3A_337, %broadcast_in_dim3A_339, %select_n3A_326 : vector<64x128xi1>, vector<64x128xi32>
      %select_n3A_341 = arith.select %lt3A_337, %add3A_336, %select_n3A_327 : vector<64x128xi1>, vector<64x128xf32>
      %slice3A_342 = vector.extract_strided_slice %dot_general3A_16 {offsets = [128, 768], sizes = [64, 128], strides = [1, 1]} : vector<256x1024xf32> to vector<64x128xf32>
      %slice3A_343 = vector.extract_strided_slice %reshape3A_15 {offsets = [0, 768], sizes = [1, 128], strides = [1, 1]} : vector<1x1024xf32> to vector<1x128xf32>
      %mul3A_344 = arith.constant 2.000000e+00 : f32
      %mul3A_345 = vector.broadcast %mul3A_344 : f32 to vector<64x128xf32>
      %mul3A_346 = arith.mulf %mul3A_345, %slice3A_342 : vector<64x128xf32>
      %sub3A_347 = vector.broadcast %slice3A_260 : vector<64x1xf32> to vector<64x128xf32>
      %sub3A_348 = arith.subf %sub3A_347, %mul3A_346 : vector<64x128xf32>
      %add3A_349 = vector.broadcast %slice3A_343 : vector<1x128xf32> to vector<64x128xf32>
      %add3A_350 = arith.addf %sub3A_348, %add3A_349 : vector<64x128xf32>
      %lt3A_351 = arith.cmpf olt, %add3A_350, %select_n3A_341 : vector<64x128xf32>
      %jit3A_352 = arith.constant 6 : i32
      %broadcast_in_dim3A_353 = vector.broadcast %jit3A_352 : i32 to vector<64x128xi32>
      %select_n3A_354 = arith.select %lt3A_351, %broadcast_in_dim3A_353, %select_n3A_340 : vector<64x128xi1>, vector<64x128xi32>
      %select_n3A_355 = arith.select %lt3A_351, %add3A_350, %select_n3A_341 : vector<64x128xi1>, vector<64x128xf32>
      %slice3A_356 = vector.extract_strided_slice %dot_general3A_16 {offsets = [128, 896], sizes = [64, 128], strides = [1, 1]} : vector<256x1024xf32> to vector<64x128xf32>
      %slice3A_357 = vector.extract_strided_slice %reshape3A_15 {offsets = [0, 896], sizes = [1, 128], strides = [1, 1]} : vector<1x1024xf32> to vector<1x128xf32>
      %mul3A_358 = arith.constant 2.000000e+00 : f32
      %mul3A_359 = vector.broadcast %mul3A_358 : f32 to vector<64x128xf32>
      %mul3A_360 = arith.mulf %mul3A_359, %slice3A_356 : vector<64x128xf32>
      %sub3A_361 = vector.broadcast %slice3A_260 : vector<64x1xf32> to vector<64x128xf32>
      %sub3A_362 = arith.subf %sub3A_361, %mul3A_360 : vector<64x128xf32>
      %add3A_363 = vector.broadcast %slice3A_357 : vector<1x128xf32> to vector<64x128xf32>
      %add3A_364 = arith.addf %sub3A_362, %add3A_363 : vector<64x128xf32>
      %lt3A_365 = arith.cmpf olt, %add3A_364, %select_n3A_355 : vector<64x128xf32>
      %jit3A_366 = arith.constant 7 : i32
      %broadcast_in_dim3A_367 = vector.broadcast %jit3A_366 : i32 to vector<64x128xi32>
      %select_n3A_368 = arith.select %lt3A_365, %broadcast_in_dim3A_367, %select_n3A_354 : vector<64x128xi1>, vector<64x128xi32>
      %select_n3A_369 = arith.select %lt3A_365, %add3A_364, %select_n3A_355 : vector<64x128xi1>, vector<64x128xf32>
      %reduce_min3A_370 = arith.constant dense<0x7F800000> : vector<64xf32>
      %reduce_min3A_371 = vector.multi_reduction <minimumf>, %select_n3A_369, %reduce_min3A_370 [1] : vector<64x128xf32> to vector<64xf32>
      %broadcast_in_dim3A_372 = vector.shape_cast %reduce_min3A_371 : vector<64xf32> to vector<64x1xf32>
      %mul3A_373 = arith.constant 128 : i32
      %mul3A_374 = vector.broadcast %mul3A_373 : i32 to vector<64x128xi32>
      %mul3A_375 = arith.muli %select_n3A_368, %mul3A_374 : vector<64x128xi32>
      %add3A_376 = arith.addi %mul3A_375, %iota3A : vector<64x128xi32>
      %eq3A_377 = vector.broadcast %broadcast_in_dim3A_372 : vector<64x1xf32> to vector<64x128xf32>
      %eq3A_378 = arith.cmpf oeq, %select_n3A_369, %eq3A_377 : vector<64x128xf32>
      %jit3A_379 = arith.constant 1024 : i32
      %broadcast_in_dim3A_380 = vector.broadcast %jit3A_379 : i32 to vector<64x128xi32>
      %select_n3A_381 = arith.select %eq3A_378, %add3A_376, %broadcast_in_dim3A_380 : vector<64x128xi1>, vector<64x128xi32>
      %reduce_min3A_382 = arith.constant dense<2147483647> : vector<64xi32>
      %reduce_min3A_383 = vector.multi_reduction <minsi>, %select_n3A_381, %reduce_min3A_382 [1] : vector<64x128xi32> to vector<64xi32>
      %broadcast_in_dim3A_384 = vector.shape_cast %reduce_min3A_383 : vector<64xi32> to vector<64x1xi32>
      %slice3A_385 = vector.extract_strided_slice %broadcast_in_dim3A {offsets = [192, 0], sizes = [64, 1], strides = [1, 1]} : vector<256x1xf32> to vector<64x1xf32>
      %slice3A_386 = vector.extract_strided_slice %dot_general3A_16 {offsets = [192, 0], sizes = [64, 128], strides = [1, 1]} : vector<256x1024xf32> to vector<64x128xf32>
      %slice3A_387 = vector.extract_strided_slice %reshape3A_15 {offsets = [0, 0], sizes = [1, 128], strides = [1, 1]} : vector<1x1024xf32> to vector<1x128xf32>
      %mul3A_388 = arith.constant 2.000000e+00 : f32
      %mul3A_389 = vector.broadcast %mul3A_388 : f32 to vector<64x128xf32>
      %mul3A_390 = arith.mulf %mul3A_389, %slice3A_386 : vector<64x128xf32>
      %sub3A_391 = vector.broadcast %slice3A_385 : vector<64x1xf32> to vector<64x128xf32>
      %sub3A_392 = arith.subf %sub3A_391, %mul3A_390 : vector<64x128xf32>
      %add3A_393 = vector.broadcast %slice3A_387 : vector<1x128xf32> to vector<64x128xf32>
      %add3A_394 = arith.addf %sub3A_392, %add3A_393 : vector<64x128xf32>
      %broadcast_in_dim3A_395 = arith.constant 0 : i32
      %broadcast_in_dim3A_396 = vector.broadcast %broadcast_in_dim3A_395 : i32 to vector<64x128xi32>
      %slice3A_397 = vector.extract_strided_slice %dot_general3A_16 {offsets = [192, 128], sizes = [64, 128], strides = [1, 1]} : vector<256x1024xf32> to vector<64x128xf32>
      %slice3A_398 = vector.extract_strided_slice %reshape3A_15 {offsets = [0, 128], sizes = [1, 128], strides = [1, 1]} : vector<1x1024xf32> to vector<1x128xf32>
      %mul3A_399 = arith.constant 2.000000e+00 : f32
      %mul3A_400 = vector.broadcast %mul3A_399 : f32 to vector<64x128xf32>
      %mul3A_401 = arith.mulf %mul3A_400, %slice3A_397 : vector<64x128xf32>
      %sub3A_402 = vector.broadcast %slice3A_385 : vector<64x1xf32> to vector<64x128xf32>
      %sub3A_403 = arith.subf %sub3A_402, %mul3A_401 : vector<64x128xf32>
      %add3A_404 = vector.broadcast %slice3A_398 : vector<1x128xf32> to vector<64x128xf32>
      %add3A_405 = arith.addf %sub3A_403, %add3A_404 : vector<64x128xf32>
      %lt3A_406 = arith.cmpf olt, %add3A_405, %add3A_394 : vector<64x128xf32>
      %jit3A_407 = arith.constant 1 : i32
      %broadcast_in_dim3A_408 = vector.broadcast %jit3A_407 : i32 to vector<64x128xi32>
      %select_n3A_409 = arith.select %lt3A_406, %broadcast_in_dim3A_408, %broadcast_in_dim3A_396 : vector<64x128xi1>, vector<64x128xi32>
      %select_n3A_410 = arith.select %lt3A_406, %add3A_405, %add3A_394 : vector<64x128xi1>, vector<64x128xf32>
      %slice3A_411 = vector.extract_strided_slice %dot_general3A_16 {offsets = [192, 256], sizes = [64, 128], strides = [1, 1]} : vector<256x1024xf32> to vector<64x128xf32>
      %slice3A_412 = vector.extract_strided_slice %reshape3A_15 {offsets = [0, 256], sizes = [1, 128], strides = [1, 1]} : vector<1x1024xf32> to vector<1x128xf32>
      %mul3A_413 = arith.constant 2.000000e+00 : f32
      %mul3A_414 = vector.broadcast %mul3A_413 : f32 to vector<64x128xf32>
      %mul3A_415 = arith.mulf %mul3A_414, %slice3A_411 : vector<64x128xf32>
      %sub3A_416 = vector.broadcast %slice3A_385 : vector<64x1xf32> to vector<64x128xf32>
      %sub3A_417 = arith.subf %sub3A_416, %mul3A_415 : vector<64x128xf32>
      %add3A_418 = vector.broadcast %slice3A_412 : vector<1x128xf32> to vector<64x128xf32>
      %add3A_419 = arith.addf %sub3A_417, %add3A_418 : vector<64x128xf32>
      %lt3A_420 = arith.cmpf olt, %add3A_419, %select_n3A_410 : vector<64x128xf32>
      %jit3A_421 = arith.constant 2 : i32
      %broadcast_in_dim3A_422 = vector.broadcast %jit3A_421 : i32 to vector<64x128xi32>
      %select_n3A_423 = arith.select %lt3A_420, %broadcast_in_dim3A_422, %select_n3A_409 : vector<64x128xi1>, vector<64x128xi32>
      %select_n3A_424 = arith.select %lt3A_420, %add3A_419, %select_n3A_410 : vector<64x128xi1>, vector<64x128xf32>
      %slice3A_425 = vector.extract_strided_slice %dot_general3A_16 {offsets = [192, 384], sizes = [64, 128], strides = [1, 1]} : vector<256x1024xf32> to vector<64x128xf32>
      %slice3A_426 = vector.extract_strided_slice %reshape3A_15 {offsets = [0, 384], sizes = [1, 128], strides = [1, 1]} : vector<1x1024xf32> to vector<1x128xf32>
      %mul3A_427 = arith.constant 2.000000e+00 : f32
      %mul3A_428 = vector.broadcast %mul3A_427 : f32 to vector<64x128xf32>
      %mul3A_429 = arith.mulf %mul3A_428, %slice3A_425 : vector<64x128xf32>
      %sub3A_430 = vector.broadcast %slice3A_385 : vector<64x1xf32> to vector<64x128xf32>
      %sub3A_431 = arith.subf %sub3A_430, %mul3A_429 : vector<64x128xf32>
      %add3A_432 = vector.broadcast %slice3A_426 : vector<1x128xf32> to vector<64x128xf32>
      %add3A_433 = arith.addf %sub3A_431, %add3A_432 : vector<64x128xf32>
      %lt3A_434 = arith.cmpf olt, %add3A_433, %select_n3A_424 : vector<64x128xf32>
      %jit3A_435 = arith.constant 3 : i32
      %broadcast_in_dim3A_436 = vector.broadcast %jit3A_435 : i32 to vector<64x128xi32>
      %select_n3A_437 = arith.select %lt3A_434, %broadcast_in_dim3A_436, %select_n3A_423 : vector<64x128xi1>, vector<64x128xi32>
      %select_n3A_438 = arith.select %lt3A_434, %add3A_433, %select_n3A_424 : vector<64x128xi1>, vector<64x128xf32>
      %slice3A_439 = vector.extract_strided_slice %dot_general3A_16 {offsets = [192, 512], sizes = [64, 128], strides = [1, 1]} : vector<256x1024xf32> to vector<64x128xf32>
      %slice3A_440 = vector.extract_strided_slice %reshape3A_15 {offsets = [0, 512], sizes = [1, 128], strides = [1, 1]} : vector<1x1024xf32> to vector<1x128xf32>
      %mul3A_441 = arith.constant 2.000000e+00 : f32
      %mul3A_442 = vector.broadcast %mul3A_441 : f32 to vector<64x128xf32>
      %mul3A_443 = arith.mulf %mul3A_442, %slice3A_439 : vector<64x128xf32>
      %sub3A_444 = vector.broadcast %slice3A_385 : vector<64x1xf32> to vector<64x128xf32>
      %sub3A_445 = arith.subf %sub3A_444, %mul3A_443 : vector<64x128xf32>
      %add3A_446 = vector.broadcast %slice3A_440 : vector<1x128xf32> to vector<64x128xf32>
      %add3A_447 = arith.addf %sub3A_445, %add3A_446 : vector<64x128xf32>
      %lt3A_448 = arith.cmpf olt, %add3A_447, %select_n3A_438 : vector<64x128xf32>
      %jit3A_449 = arith.constant 4 : i32
      %broadcast_in_dim3A_450 = vector.broadcast %jit3A_449 : i32 to vector<64x128xi32>
      %select_n3A_451 = arith.select %lt3A_448, %broadcast_in_dim3A_450, %select_n3A_437 : vector<64x128xi1>, vector<64x128xi32>
      %select_n3A_452 = arith.select %lt3A_448, %add3A_447, %select_n3A_438 : vector<64x128xi1>, vector<64x128xf32>
      %slice3A_453 = vector.extract_strided_slice %dot_general3A_16 {offsets = [192, 640], sizes = [64, 128], strides = [1, 1]} : vector<256x1024xf32> to vector<64x128xf32>
      %slice3A_454 = vector.extract_strided_slice %reshape3A_15 {offsets = [0, 640], sizes = [1, 128], strides = [1, 1]} : vector<1x1024xf32> to vector<1x128xf32>
      %mul3A_455 = arith.constant 2.000000e+00 : f32
      %mul3A_456 = vector.broadcast %mul3A_455 : f32 to vector<64x128xf32>
      %mul3A_457 = arith.mulf %mul3A_456, %slice3A_453 : vector<64x128xf32>
      %sub3A_458 = vector.broadcast %slice3A_385 : vector<64x1xf32> to vector<64x128xf32>
      %sub3A_459 = arith.subf %sub3A_458, %mul3A_457 : vector<64x128xf32>
      %add3A_460 = vector.broadcast %slice3A_454 : vector<1x128xf32> to vector<64x128xf32>
      %add3A_461 = arith.addf %sub3A_459, %add3A_460 : vector<64x128xf32>
      %lt3A_462 = arith.cmpf olt, %add3A_461, %select_n3A_452 : vector<64x128xf32>
      %jit3A_463 = arith.constant 5 : i32
      %broadcast_in_dim3A_464 = vector.broadcast %jit3A_463 : i32 to vector<64x128xi32>
      %select_n3A_465 = arith.select %lt3A_462, %broadcast_in_dim3A_464, %select_n3A_451 : vector<64x128xi1>, vector<64x128xi32>
      %select_n3A_466 = arith.select %lt3A_462, %add3A_461, %select_n3A_452 : vector<64x128xi1>, vector<64x128xf32>
      %slice3A_467 = vector.extract_strided_slice %dot_general3A_16 {offsets = [192, 768], sizes = [64, 128], strides = [1, 1]} : vector<256x1024xf32> to vector<64x128xf32>
      %slice3A_468 = vector.extract_strided_slice %reshape3A_15 {offsets = [0, 768], sizes = [1, 128], strides = [1, 1]} : vector<1x1024xf32> to vector<1x128xf32>
      %mul3A_469 = arith.constant 2.000000e+00 : f32
      %mul3A_470 = vector.broadcast %mul3A_469 : f32 to vector<64x128xf32>
      %mul3A_471 = arith.mulf %mul3A_470, %slice3A_467 : vector<64x128xf32>
      %sub3A_472 = vector.broadcast %slice3A_385 : vector<64x1xf32> to vector<64x128xf32>
      %sub3A_473 = arith.subf %sub3A_472, %mul3A_471 : vector<64x128xf32>
      %add3A_474 = vector.broadcast %slice3A_468 : vector<1x128xf32> to vector<64x128xf32>
      %add3A_475 = arith.addf %sub3A_473, %add3A_474 : vector<64x128xf32>
      %lt3A_476 = arith.cmpf olt, %add3A_475, %select_n3A_466 : vector<64x128xf32>
      %jit3A_477 = arith.constant 6 : i32
      %broadcast_in_dim3A_478 = vector.broadcast %jit3A_477 : i32 to vector<64x128xi32>
      %select_n3A_479 = arith.select %lt3A_476, %broadcast_in_dim3A_478, %select_n3A_465 : vector<64x128xi1>, vector<64x128xi32>
      %select_n3A_480 = arith.select %lt3A_476, %add3A_475, %select_n3A_466 : vector<64x128xi1>, vector<64x128xf32>
      %slice3A_481 = vector.extract_strided_slice %dot_general3A_16 {offsets = [192, 896], sizes = [64, 128], strides = [1, 1]} : vector<256x1024xf32> to vector<64x128xf32>
      %slice3A_482 = vector.extract_strided_slice %reshape3A_15 {offsets = [0, 896], sizes = [1, 128], strides = [1, 1]} : vector<1x1024xf32> to vector<1x128xf32>
      %mul3A_483 = arith.constant 2.000000e+00 : f32
      %mul3A_484 = vector.broadcast %mul3A_483 : f32 to vector<64x128xf32>
      %mul3A_485 = arith.mulf %mul3A_484, %slice3A_481 : vector<64x128xf32>
      %sub3A_486 = vector.broadcast %slice3A_385 : vector<64x1xf32> to vector<64x128xf32>
      %sub3A_487 = arith.subf %sub3A_486, %mul3A_485 : vector<64x128xf32>
      %add3A_488 = vector.broadcast %slice3A_482 : vector<1x128xf32> to vector<64x128xf32>
      %add3A_489 = arith.addf %sub3A_487, %add3A_488 : vector<64x128xf32>
      %lt3A_490 = arith.cmpf olt, %add3A_489, %select_n3A_480 : vector<64x128xf32>
      %jit3A_491 = arith.constant 7 : i32
      %broadcast_in_dim3A_492 = vector.broadcast %jit3A_491 : i32 to vector<64x128xi32>
      %select_n3A_493 = arith.select %lt3A_490, %broadcast_in_dim3A_492, %select_n3A_479 : vector<64x128xi1>, vector<64x128xi32>
      %select_n3A_494 = arith.select %lt3A_490, %add3A_489, %select_n3A_480 : vector<64x128xi1>, vector<64x128xf32>
      %reduce_min3A_495 = arith.constant dense<0x7F800000> : vector<64xf32>
      %reduce_min3A_496 = vector.multi_reduction <minimumf>, %select_n3A_494, %reduce_min3A_495 [1] : vector<64x128xf32> to vector<64xf32>
      %broadcast_in_dim3A_497 = vector.shape_cast %reduce_min3A_496 : vector<64xf32> to vector<64x1xf32>
      %mul3A_498 = arith.constant 128 : i32
      %mul3A_499 = vector.broadcast %mul3A_498 : i32 to vector<64x128xi32>
      %mul3A_500 = arith.muli %select_n3A_493, %mul3A_499 : vector<64x128xi32>
      %add3A_501 = arith.addi %mul3A_500, %iota3A : vector<64x128xi32>
      %eq3A_502 = vector.broadcast %broadcast_in_dim3A_497 : vector<64x1xf32> to vector<64x128xf32>
      %eq3A_503 = arith.cmpf oeq, %select_n3A_494, %eq3A_502 : vector<64x128xf32>
      %jit3A_504 = arith.constant 1024 : i32
      %broadcast_in_dim3A_505 = vector.broadcast %jit3A_504 : i32 to vector<64x128xi32>
      %select_n3A_506 = arith.select %eq3A_503, %add3A_501, %broadcast_in_dim3A_505 : vector<64x128xi1>, vector<64x128xi32>
      %reduce_min3A_507 = arith.constant dense<2147483647> : vector<64xi32>
      %reduce_min3A_508 = vector.multi_reduction <minsi>, %select_n3A_506, %reduce_min3A_507 [1] : vector<64x128xi32> to vector<64xi32>
      %broadcast_in_dim3A_509 = vector.shape_cast %reduce_min3A_508 : vector<64xi32> to vector<64x1xi32>
      %concatenate3A = tpu.concatenate %broadcast_in_dim3A_134, %broadcast_in_dim3A_259, %broadcast_in_dim3A_384, %broadcast_in_dim3A_509 in 0 : vector<64x1xi32>, vector<64x1xi32>, vector<64x1xi32>, vector<64x1xi32> -> vector<256x1xi32>
      %iota3A_510 = tpu.iota {dimensions = array<i32: 1>} : vector<256x1024xi32>
      %eq3A_511 = vector.broadcast %concatenate3A : vector<256x1xi32> to vector<256x1024xi32>
      %eq3A_512 = arith.cmpi eq, %iota3A_510, %eq3A_511 : vector<256x1024xi32>
      %convert_element_type3A_513 = arith.extui %eq3A_512 : vector<256x1024xi1> to vector<256x1024xi32>
      %convert_element_type3A_514 = arith.sitofp %convert_element_type3A_513 : vector<256x1024xi32> to vector<256x1024xf32>
      %dot_general3A_515 = arith.constant dense<0.000000e+00> : vector<256x256xf32>
      %dot_general3A_516 = tpu.matmul %convert_element_type3A_514, %reshape3A, %dot_general3A_515 {dimension_numbers = #tpu.dot_dimension_numbers<[1], [0], [0], [1], [0, 0, 1, 1], [], []>, transpose_lhs_hint = false} : vector<256x1024xf32>, vector<1024x256xf32>, vector<256x256xf32> -> vector<256x256xf32>
      %swap3A = arith.constant 0 : index
      %swap3A_517 = arith.constant 0 : index
      %swap3A_518 = vector.load %arg7[%swap3A, %swap3A_517] : memref<256x256xf32, #tpu.memory_space<vmem>>, vector<256x256xf32>
      tpu.vector_store %arg7[%swap3A, %swap3A_517], %dot_general3A_516 {strides = array<i32>} : memref<256x256xf32, #tpu.memory_space<vmem>>, vector<256x256xf32>,
      %shift_right_logical3A = arith.constant 8 : i32
      %shift_right_logical3A_519 = vector.broadcast %shift_right_logical3A : i32 to vector<256x1xi32>
      %shift_right_logical3A_520 = arith.shrui %concatenate3A, %shift_right_logical3A_519 : vector<256x1xi32>
      %and3A = arith.constant 3 : i32
      %and3A_521 = vector.broadcast %and3A : i32 to vector<256x1xi32>
      %and3A_522 = arith.andi %shift_right_logical3A_520, %and3A_521 : vector<256x1xi32>
      %eq3A_523 = arith.constant 0 : i32
      %eq3A_524 = vector.broadcast %eq3A_523 : i32 to vector<256x1xi32>
      %eq3A_525 = arith.cmpi eq, %and3A_522, %eq3A_524 : vector<256x1xi32>
      %get3A_526 = arith.constant 0 : index
      %get3A_527 = arith.constant 0 : index
      %get3A_528 = vector.load %arg6[%get3A_526, %get3A_527] : memref<4x2xf32, #tpu.memory_space<vmem>>, vector<1x1xf32>
      %get3A_529 = vector.extract %get3A_528[0, 0] : f32 from vector<1x1xf32>
      %eq3A_530 = arith.constant 1 : i32
      %eq3A_531 = vector.broadcast %eq3A_530 : i32 to vector<256x1xi32>
      %eq3A_532 = arith.cmpi eq, %and3A_522, %eq3A_531 : vector<256x1xi32>
      %get3A_533 = arith.constant 1 : index
      %get3A_534 = arith.constant 0 : index
      %get3A_535 = vector.load %arg6[%get3A_533, %get3A_534] : memref<4x2xf32, #tpu.memory_space<vmem>>, vector<1x1xf32>
      %get3A_536 = vector.extract %get3A_535[0, 0] : f32 from vector<1x1xf32>
      %eq3A_537 = arith.constant 2 : i32
      %eq3A_538 = vector.broadcast %eq3A_537 : i32 to vector<256x1xi32>
      %eq3A_539 = arith.cmpi eq, %and3A_522, %eq3A_538 : vector<256x1xi32>
      %get3A_540 = arith.constant 2 : index
      %get3A_541 = arith.constant 0 : index
      %get3A_542 = vector.load %arg6[%get3A_540, %get3A_541] : memref<4x2xf32, #tpu.memory_space<vmem>>, vector<1x1xf32>
      %get3A_543 = vector.extract %get3A_542[0, 0] : f32 from vector<1x1xf32>
      %get3A_544 = arith.constant 3 : index
      %get3A_545 = arith.constant 0 : index
      %get3A_546 = vector.load %arg6[%get3A_544, %get3A_545] : memref<4x2xf32, #tpu.memory_space<vmem>>, vector<1x1xf32>
      %get3A_547 = vector.extract %get3A_546[0, 0] : f32 from vector<1x1xf32>
      %broadcast_in_dim3A_548 = vector.broadcast %get3A_543 : f32 to vector<256x1xf32>
      %broadcast_in_dim3A_549 = vector.broadcast %get3A_547 : f32 to vector<256x1xf32>
      %select_n3A_550 = arith.select %eq3A_539, %broadcast_in_dim3A_548, %broadcast_in_dim3A_549 : vector<256x1xi1>, vector<256x1xf32>
      %broadcast_in_dim3A_551 = vector.broadcast %get3A_536 : f32 to vector<256x1xf32>
      %select_n3A_552 = arith.select %eq3A_532, %broadcast_in_dim3A_551, %select_n3A_550 : vector<256x1xi1>, vector<256x1xf32>
      %broadcast_in_dim3A_553 = vector.broadcast %get3A_529 : f32 to vector<256x1xf32>
      %select_n3A_554 = arith.select %eq3A_525, %broadcast_in_dim3A_553, %select_n3A_552 : vector<256x1xi1>, vector<256x1xf32>
      %eq3A_555 = arith.constant 0 : i32
      %eq3A_556 = vector.broadcast %eq3A_555 : i32 to vector<256x1xi32>
      %eq3A_557 = arith.cmpi eq, %and3A_522, %eq3A_556 : vector<256x1xi32>
      %get3A_558 = arith.constant 0 : index
      %get3A_559 = arith.constant 1 : index
      %get3A_560 = vector.load %arg6[%get3A_558, %get3A_559] : memref<4x2xf32, #tpu.memory_space<vmem>>, vector<1x1xf32>
      %get3A_561 = vector.extract %get3A_560[0, 0] : f32 from vector<1x1xf32>
      %eq3A_562 = arith.constant 1 : i32
      %eq3A_563 = vector.broadcast %eq3A_562 : i32 to vector<256x1xi32>
      %eq3A_564 = arith.cmpi eq, %and3A_522, %eq3A_563 : vector<256x1xi32>
      %get3A_565 = arith.constant 1 : index
      %get3A_566 = arith.constant 1 : index
      %get3A_567 = vector.load %arg6[%get3A_565, %get3A_566] : memref<4x2xf32, #tpu.memory_space<vmem>>, vector<1x1xf32>
      %get3A_568 = vector.extract %get3A_567[0, 0] : f32 from vector<1x1xf32>
      %eq3A_569 = arith.constant 2 : i32
      %eq3A_570 = vector.broadcast %eq3A_569 : i32 to vector<256x1xi32>
      %eq3A_571 = arith.cmpi eq, %and3A_522, %eq3A_570 : vector<256x1xi32>
      %get3A_572 = arith.constant 2 : index
      %get3A_573 = arith.constant 1 : index
      %get3A_574 = vector.load %arg6[%get3A_572, %get3A_573] : memref<4x2xf32, #tpu.memory_space<vmem>>, vector<1x1xf32>
      %get3A_575 = vector.extract %get3A_574[0, 0] : f32 from vector<1x1xf32>
      %get3A_576 = arith.constant 3 : index
      %get3A_577 = arith.constant 1 : index
      %get3A_578 = vector.load %arg6[%get3A_576, %get3A_577] : memref<4x2xf32, #tpu.memory_space<vmem>>, vector<1x1xf32>
      %get3A_579 = vector.extract %get3A_578[0, 0] : f32 from vector<1x1xf32>
      %broadcast_in_dim3A_580 = vector.broadcast %get3A_575 : f32 to vector<256x1xf32>
      %broadcast_in_dim3A_581 = vector.broadcast %get3A_579 : f32 to vector<256x1xf32>
      %select_n3A_582 = arith.select %eq3A_571, %broadcast_in_dim3A_580, %broadcast_in_dim3A_581 : vector<256x1xi1>, vector<256x1xf32>
      %broadcast_in_dim3A_583 = vector.broadcast %get3A_568 : f32 to vector<256x1xf32>
      %select_n3A_584 = arith.select %eq3A_564, %broadcast_in_dim3A_583, %select_n3A_582 : vector<256x1xi1>, vector<256x1xf32>
      %broadcast_in_dim3A_585 = vector.broadcast %get3A_561 : f32 to vector<256x1xf32>
      %select_n3A_586 = arith.select %eq3A_557, %broadcast_in_dim3A_585, %select_n3A_584 : vector<256x1xi1>, vector<256x1xf32>
      %shift_right_logical3A_587 = arith.constant 6 : i32
      %shift_right_logical3A_588 = vector.broadcast %shift_right_logical3A_587 : i32 to vector<256x1xi32>
      %shift_right_logical3A_589 = arith.shrui %concatenate3A, %shift_right_logical3A_588 : vector<256x1xi32>
      %and3A_590 = arith.constant 3 : i32
      %and3A_591 = vector.broadcast %and3A_590 : i32 to vector<256x1xi32>
      %and3A_592 = arith.andi %shift_right_logical3A_589, %and3A_591 : vector<256x1xi32>
      %eq3A_593 = arith.constant 0 : i32
      %eq3A_594 = vector.broadcast %eq3A_593 : i32 to vector<256x1xi32>
      %eq3A_595 = arith.cmpi eq, %and3A_592, %eq3A_594 : vector<256x1xi32>
      %get3A_596 = arith.constant 0 : index
      %get3A_597 = arith.constant 0 : index
      %get3A_598 = vector.load %arg6[%get3A_596, %get3A_597] : memref<4x2xf32, #tpu.memory_space<vmem>>, vector<1x1xf32>
      %get3A_599 = vector.extract %get3A_598[0, 0] : f32 from vector<1x1xf32>
      %eq3A_600 = arith.constant 1 : i32
      %eq3A_601 = vector.broadcast %eq3A_600 : i32 to vector<256x1xi32>
      %eq3A_602 = arith.cmpi eq, %and3A_592, %eq3A_601 : vector<256x1xi32>
      %get3A_603 = arith.constant 1 : index
      %get3A_604 = arith.constant 0 : index
      %get3A_605 = vector.load %arg6[%get3A_603, %get3A_604] : memref<4x2xf32, #tpu.memory_space<vmem>>, vector<1x1xf32>
      %get3A_606 = vector.extract %get3A_605[0, 0] : f32 from vector<1x1xf32>
      %eq3A_607 = arith.constant 2 : i32
      %eq3A_608 = vector.broadcast %eq3A_607 : i32 to vector<256x1xi32>
      %eq3A_609 = arith.cmpi eq, %and3A_592, %eq3A_608 : vector<256x1xi32>
      %get3A_610 = arith.constant 2 : index
      %get3A_611 = arith.constant 0 : index
      %get3A_612 = vector.load %arg6[%get3A_610, %get3A_611] : memref<4x2xf32, #tpu.memory_space<vmem>>, vector<1x1xf32>
      %get3A_613 = vector.extract %get3A_612[0, 0] : f32 from vector<1x1xf32>
      %get3A_614 = arith.constant 3 : index
      %get3A_615 = arith.constant 0 : index
      %get3A_616 = vector.load %arg6[%get3A_614, %get3A_615] : memref<4x2xf32, #tpu.memory_space<vmem>>, vector<1x1xf32>
      %get3A_617 = vector.extract %get3A_616[0, 0] : f32 from vector<1x1xf32>
      %broadcast_in_dim3A_618 = vector.broadcast %get3A_613 : f32 to vector<256x1xf32>
      %broadcast_in_dim3A_619 = vector.broadcast %get3A_617 : f32 to vector<256x1xf32>
      %select_n3A_620 = arith.select %eq3A_609, %broadcast_in_dim3A_618, %broadcast_in_dim3A_619 : vector<256x1xi1>, vector<256x1xf32>
      %broadcast_in_dim3A_621 = vector.broadcast %get3A_606 : f32 to vector<256x1xf32>
      %select_n3A_622 = arith.select %eq3A_602, %broadcast_in_dim3A_621, %select_n3A_620 : vector<256x1xi1>, vector<256x1xf32>
      %broadcast_in_dim3A_623 = vector.broadcast %get3A_599 : f32 to vector<256x1xf32>
      %select_n3A_624 = arith.select %eq3A_595, %broadcast_in_dim3A_623, %select_n3A_622 : vector<256x1xi1>, vector<256x1xf32>
      %eq3A_625 = arith.constant 0 : i32
      %eq3A_626 = vector.broadcast %eq3A_625 : i32 to vector<256x1xi32>
      %eq3A_627 = arith.cmpi eq, %and3A_592, %eq3A_626 : vector<256x1xi32>
      %get3A_628 = arith.constant 0 : index
      %get3A_629 = arith.constant 1 : index
      %get3A_630 = vector.load %arg6[%get3A_628, %get3A_629] : memref<4x2xf32, #tpu.memory_space<vmem>>, vector<1x1xf32>
      %get3A_631 = vector.extract %get3A_630[0, 0] : f32 from vector<1x1xf32>
      %eq3A_632 = arith.constant 1 : i32
      %eq3A_633 = vector.broadcast %eq3A_632 : i32 to vector<256x1xi32>
      %eq3A_634 = arith.cmpi eq, %and3A_592, %eq3A_633 : vector<256x1xi32>
      %get3A_635 = arith.constant 1 : index
      %get3A_636 = arith.constant 1 : index
      %get3A_637 = vector.load %arg6[%get3A_635, %get3A_636] : memref<4x2xf32, #tpu.memory_space<vmem>>, vector<1x1xf32>
      %get3A_638 = vector.extract %get3A_637[0, 0] : f32 from vector<1x1xf32>
      %eq3A_639 = arith.constant 2 : i32
      %eq3A_640 = vector.broadcast %eq3A_639 : i32 to vector<256x1xi32>
      %eq3A_641 = arith.cmpi eq, %and3A_592, %eq3A_640 : vector<256x1xi32>
      %get3A_642 = arith.constant 2 : index
      %get3A_643 = arith.constant 1 : index
      %get3A_644 = vector.load %arg6[%get3A_642, %get3A_643] : memref<4x2xf32, #tpu.memory_space<vmem>>, vector<1x1xf32>
      %get3A_645 = vector.extract %get3A_644[0, 0] : f32 from vector<1x1xf32>
      %get3A_646 = arith.constant 3 : index
      %get3A_647 = arith.constant 1 : index
      %get3A_648 = vector.load %arg6[%get3A_646, %get3A_647] : memref<4x2xf32, #tpu.memory_space<vmem>>, vector<1x1xf32>
      %get3A_649 = vector.extract %get3A_648[0, 0] : f32 from vector<1x1xf32>
      %broadcast_in_dim3A_650 = vector.broadcast %get3A_645 : f32 to vector<256x1xf32>
      %broadcast_in_dim3A_651 = vector.broadcast %get3A_649 : f32 to vector<256x1xf32>
      %select_n3A_652 = arith.select %eq3A_641, %broadcast_in_dim3A_650, %broadcast_in_dim3A_651 : vector<256x1xi1>, vector<256x1xf32>
      %broadcast_in_dim3A_653 = vector.broadcast %get3A_638 : f32 to vector<256x1xf32>
      %select_n3A_654 = arith.select %eq3A_634, %broadcast_in_dim3A_653, %select_n3A_652 : vector<256x1xi1>, vector<256x1xf32>
      %broadcast_in_dim3A_655 = vector.broadcast %get3A_631 : f32 to vector<256x1xf32>
      %select_n3A_656 = arith.select %eq3A_627, %broadcast_in_dim3A_655, %select_n3A_654 : vector<256x1xi1>, vector<256x1xf32>
      %shift_right_logical3A_657 = arith.constant 4 : i32
      %shift_right_logical3A_658 = vector.broadcast %shift_right_logical3A_657 : i32 to vector<256x1xi32>
      %shift_right_logical3A_659 = arith.shrui %concatenate3A, %shift_right_logical3A_658 : vector<256x1xi32>
      %and3A_660 = arith.constant 3 : i32
      %and3A_661 = vector.broadcast %and3A_660 : i32 to vector<256x1xi32>
      %and3A_662 = arith.andi %shift_right_logical3A_659, %and3A_661 : vector<256x1xi32>
      %eq3A_663 = arith.constant 0 : i32
      %eq3A_664 = vector.broadcast %eq3A_663 : i32 to vector<256x1xi32>
      %eq3A_665 = arith.cmpi eq, %and3A_662, %eq3A_664 : vector<256x1xi32>
      %get3A_666 = arith.constant 0 : index
      %get3A_667 = arith.constant 0 : index
      %get3A_668 = vector.load %arg6[%get3A_666, %get3A_667] : memref<4x2xf32, #tpu.memory_space<vmem>>, vector<1x1xf32>
      %get3A_669 = vector.extract %get3A_668[0, 0] : f32 from vector<1x1xf32>
      %eq3A_670 = arith.constant 1 : i32
      %eq3A_671 = vector.broadcast %eq3A_670 : i32 to vector<256x1xi32>
      %eq3A_672 = arith.cmpi eq, %and3A_662, %eq3A_671 : vector<256x1xi32>
      %get3A_673 = arith.constant 1 : index
      %get3A_674 = arith.constant 0 : index
      %get3A_675 = vector.load %arg6[%get3A_673, %get3A_674] : memref<4x2xf32, #tpu.memory_space<vmem>>, vector<1x1xf32>
      %get3A_676 = vector.extract %get3A_675[0, 0] : f32 from vector<1x1xf32>
      %eq3A_677 = arith.constant 2 : i32
      %eq3A_678 = vector.broadcast %eq3A_677 : i32 to vector<256x1xi32>
      %eq3A_679 = arith.cmpi eq, %and3A_662, %eq3A_678 : vector<256x1xi32>
      %get3A_680 = arith.constant 2 : index
      %get3A_681 = arith.constant 0 : index
      %get3A_682 = vector.load %arg6[%get3A_680, %get3A_681] : memref<4x2xf32, #tpu.memory_space<vmem>>, vector<1x1xf32>
      %get3A_683 = vector.extract %get3A_682[0, 0] : f32 from vector<1x1xf32>
      %get3A_684 = arith.constant 3 : index
      %get3A_685 = arith.constant 0 : index
      %get3A_686 = vector.load %arg6[%get3A_684, %get3A_685] : memref<4x2xf32, #tpu.memory_space<vmem>>, vector<1x1xf32>
      %get3A_687 = vector.extract %get3A_686[0, 0] : f32 from vector<1x1xf32>
      %broadcast_in_dim3A_688 = vector.broadcast %get3A_683 : f32 to vector<256x1xf32>
      %broadcast_in_dim3A_689 = vector.broadcast %get3A_687 : f32 to vector<256x1xf32>
      %select_n3A_690 = arith.select %eq3A_679, %broadcast_in_dim3A_688, %broadcast_in_dim3A_689 : vector<256x1xi1>, vector<256x1xf32>
      %broadcast_in_dim3A_691 = vector.broadcast %get3A_676 : f32 to vector<256x1xf32>
      %select_n3A_692 = arith.select %eq3A_672, %broadcast_in_dim3A_691, %select_n3A_690 : vector<256x1xi1>, vector<256x1xf32>
      %broadcast_in_dim3A_693 = vector.broadcast %get3A_669 : f32 to vector<256x1xf32>
      %select_n3A_694 = arith.select %eq3A_665, %broadcast_in_dim3A_693, %select_n3A_692 : vector<256x1xi1>, vector<256x1xf32>
      %eq3A_695 = arith.constant 0 : i32
      %eq3A_696 = vector.broadcast %eq3A_695 : i32 to vector<256x1xi32>
      %eq3A_697 = arith.cmpi eq, %and3A_662, %eq3A_696 : vector<256x1xi32>
      %get3A_698 = arith.constant 0 : index
      %get3A_699 = arith.constant 1 : index
      %get3A_700 = vector.load %arg6[%get3A_698, %get3A_699] : memref<4x2xf32, #tpu.memory_space<vmem>>, vector<1x1xf32>
      %get3A_701 = vector.extract %get3A_700[0, 0] : f32 from vector<1x1xf32>
      %eq3A_702 = arith.constant 1 : i32
      %eq3A_703 = vector.broadcast %eq3A_702 : i32 to vector<256x1xi32>
      %eq3A_704 = arith.cmpi eq, %and3A_662, %eq3A_703 : vector<256x1xi32>
      %get3A_705 = arith.constant 1 : index
      %get3A_706 = arith.constant 1 : index
      %get3A_707 = vector.load %arg6[%get3A_705, %get3A_706] : memref<4x2xf32, #tpu.memory_space<vmem>>, vector<1x1xf32>
      %get3A_708 = vector.extract %get3A_707[0, 0] : f32 from vector<1x1xf32>
      %eq3A_709 = arith.constant 2 : i32
      %eq3A_710 = vector.broadcast %eq3A_709 : i32 to vector<256x1xi32>
      %eq3A_711 = arith.cmpi eq, %and3A_662, %eq3A_710 : vector<256x1xi32>
      %get3A_712 = arith.constant 2 : index
      %get3A_713 = arith.constant 1 : index
      %get3A_714 = vector.load %arg6[%get3A_712, %get3A_713] : memref<4x2xf32, #tpu.memory_space<vmem>>, vector<1x1xf32>
      %get3A_715 = vector.extract %get3A_714[0, 0] : f32 from vector<1x1xf32>
      %get3A_716 = arith.constant 3 : index
      %get3A_717 = arith.constant 1 : index
      %get3A_718 = vector.load %arg6[%get3A_716, %get3A_717] : memref<4x2xf32, #tpu.memory_space<vmem>>, vector<1x1xf32>
      %get3A_719 = vector.extract %get3A_718[0, 0] : f32 from vector<1x1xf32>
      %broadcast_in_dim3A_720 = vector.broadcast %get3A_715 : f32 to vector<256x1xf32>
      %broadcast_in_dim3A_721 = vector.broadcast %get3A_719 : f32 to vector<256x1xf32>
      %select_n3A_722 = arith.select %eq3A_711, %broadcast_in_dim3A_720, %broadcast_in_dim3A_721 : vector<256x1xi1>, vector<256x1xf32>
      %broadcast_in_dim3A_723 = vector.broadcast %get3A_708 : f32 to vector<256x1xf32>
      %select_n3A_724 = arith.select %eq3A_704, %broadcast_in_dim3A_723, %select_n3A_722 : vector<256x1xi1>, vector<256x1xf32>
      %broadcast_in_dim3A_725 = vector.broadcast %get3A_701 : f32 to vector<256x1xf32>
      %select_n3A_726 = arith.select %eq3A_697, %broadcast_in_dim3A_725, %select_n3A_724 : vector<256x1xi1>, vector<256x1xf32>
      %shift_right_logical3A_727 = arith.constant 2 : i32
      %shift_right_logical3A_728 = vector.broadcast %shift_right_logical3A_727 : i32 to vector<256x1xi32>
      %shift_right_logical3A_729 = arith.shrui %concatenate3A, %shift_right_logical3A_728 : vector<256x1xi32>
      %and3A_730 = arith.constant 3 : i32
      %and3A_731 = vector.broadcast %and3A_730 : i32 to vector<256x1xi32>
      %and3A_732 = arith.andi %shift_right_logical3A_729, %and3A_731 : vector<256x1xi32>
      %eq3A_733 = arith.constant 0 : i32
      %eq3A_734 = vector.broadcast %eq3A_733 : i32 to vector<256x1xi32>
      %eq3A_735 = arith.cmpi eq, %and3A_732, %eq3A_734 : vector<256x1xi32>
      %get3A_736 = arith.constant 0 : index
      %get3A_737 = arith.constant 0 : index
      %get3A_738 = vector.load %arg6[%get3A_736, %get3A_737] : memref<4x2xf32, #tpu.memory_space<vmem>>, vector<1x1xf32>
      %get3A_739 = vector.extract %get3A_738[0, 0] : f32 from vector<1x1xf32>
      %eq3A_740 = arith.constant 1 : i32
      %eq3A_741 = vector.broadcast %eq3A_740 : i32 to vector<256x1xi32>
      %eq3A_742 = arith.cmpi eq, %and3A_732, %eq3A_741 : vector<256x1xi32>
      %get3A_743 = arith.constant 1 : index
      %get3A_744 = arith.constant 0 : index
      %get3A_745 = vector.load %arg6[%get3A_743, %get3A_744] : memref<4x2xf32, #tpu.memory_space<vmem>>, vector<1x1xf32>
      %get3A_746 = vector.extract %get3A_745[0, 0] : f32 from vector<1x1xf32>
      %eq3A_747 = arith.constant 2 : i32
      %eq3A_748 = vector.broadcast %eq3A_747 : i32 to vector<256x1xi32>
      %eq3A_749 = arith.cmpi eq, %and3A_732, %eq3A_748 : vector<256x1xi32>
      %get3A_750 = arith.constant 2 : index
      %get3A_751 = arith.constant 0 : index
      %get3A_752 = vector.load %arg6[%get3A_750, %get3A_751] : memref<4x2xf32, #tpu.memory_space<vmem>>, vector<1x1xf32>
      %get3A_753 = vector.extract %get3A_752[0, 0] : f32 from vector<1x1xf32>
      %get3A_754 = arith.constant 3 : index
      %get3A_755 = arith.constant 0 : index
      %get3A_756 = vector.load %arg6[%get3A_754, %get3A_755] : memref<4x2xf32, #tpu.memory_space<vmem>>, vector<1x1xf32>
      %get3A_757 = vector.extract %get3A_756[0, 0] : f32 from vector<1x1xf32>
      %broadcast_in_dim3A_758 = vector.broadcast %get3A_753 : f32 to vector<256x1xf32>
      %broadcast_in_dim3A_759 = vector.broadcast %get3A_757 : f32 to vector<256x1xf32>
      %select_n3A_760 = arith.select %eq3A_749, %broadcast_in_dim3A_758, %broadcast_in_dim3A_759 : vector<256x1xi1>, vector<256x1xf32>
      %broadcast_in_dim3A_761 = vector.broadcast %get3A_746 : f32 to vector<256x1xf32>
      %select_n3A_762 = arith.select %eq3A_742, %broadcast_in_dim3A_761, %select_n3A_760 : vector<256x1xi1>, vector<256x1xf32>
      %broadcast_in_dim3A_763 = vector.broadcast %get3A_739 : f32 to vector<256x1xf32>
      %select_n3A_764 = arith.select %eq3A_735, %broadcast_in_dim3A_763, %select_n3A_762 : vector<256x1xi1>, vector<256x1xf32>
      %eq3A_765 = arith.constant 0 : i32
      %eq3A_766 = vector.broadcast %eq3A_765 : i32 to vector<256x1xi32>
      %eq3A_767 = arith.cmpi eq, %and3A_732, %eq3A_766 : vector<256x1xi32>
      %get3A_768 = arith.constant 0 : index
      %get3A_769 = arith.constant 1 : index
      %get3A_770 = vector.load %arg6[%get3A_768, %get3A_769] : memref<4x2xf32, #tpu.memory_space<vmem>>, vector<1x1xf32>
      %get3A_771 = vector.extract %get3A_770[0, 0] : f32 from vector<1x1xf32>
      %eq3A_772 = arith.constant 1 : i32
      %eq3A_773 = vector.broadcast %eq3A_772 : i32 to vector<256x1xi32>
      %eq3A_774 = arith.cmpi eq, %and3A_732, %eq3A_773 : vector<256x1xi32>
      %get3A_775 = arith.constant 1 : index
      %get3A_776 = arith.constant 1 : index
      %get3A_777 = vector.load %arg6[%get3A_775, %get3A_776] : memref<4x2xf32, #tpu.memory_space<vmem>>, vector<1x1xf32>
      %get3A_778 = vector.extract %get3A_777[0, 0] : f32 from vector<1x1xf32>
      %eq3A_779 = arith.constant 2 : i32
      %eq3A_780 = vector.broadcast %eq3A_779 : i32 to vector<256x1xi32>
      %eq3A_781 = arith.cmpi eq, %and3A_732, %eq3A_780 : vector<256x1xi32>
      %get3A_782 = arith.constant 2 : index
      %get3A_783 = arith.constant 1 : index
      %get3A_784 = vector.load %arg6[%get3A_782, %get3A_783] : memref<4x2xf32, #tpu.memory_space<vmem>>, vector<1x1xf32>
      %get3A_785 = vector.extract %get3A_784[0, 0] : f32 from vector<1x1xf32>
      %get3A_786 = arith.constant 3 : index
      %get3A_787 = arith.constant 1 : index
      %get3A_788 = vector.load %arg6[%get3A_786, %get3A_787] : memref<4x2xf32, #tpu.memory_space<vmem>>, vector<1x1xf32>
      %get3A_789 = vector.extract %get3A_788[0, 0] : f32 from vector<1x1xf32>
      %broadcast_in_dim3A_790 = vector.broadcast %get3A_785 : f32 to vector<256x1xf32>
      %broadcast_in_dim3A_791 = vector.broadcast %get3A_789 : f32 to vector<256x1xf32>
      %select_n3A_792 = arith.select %eq3A_781, %broadcast_in_dim3A_790, %broadcast_in_dim3A_791 : vector<256x1xi1>, vector<256x1xf32>
      %broadcast_in_dim3A_793 = vector.broadcast %get3A_778 : f32 to vector<256x1xf32>
      %select_n3A_794 = arith.select %eq3A_774, %broadcast_in_dim3A_793, %select_n3A_792 : vector<256x1xi1>, vector<256x1xf32>
      %broadcast_in_dim3A_795 = vector.broadcast %get3A_771 : f32 to vector<256x1xf32>
      %select_n3A_796 = arith.select %eq3A_767, %broadcast_in_dim3A_795, %select_n3A_794 : vector<256x1xi1>, vector<256x1xf32>
      %shift_right_logical3A_797 = arith.constant 0 : i32
      %shift_right_logical3A_798 = vector.broadcast %shift_right_logical3A_797 : i32 to vector<256x1xi32>
      %shift_right_logical3A_799 = arith.shrui %concatenate3A, %shift_right_logical3A_798 : vector<256x1xi32>
      %and3A_800 = arith.constant 3 : i32
      %and3A_801 = vector.broadcast %and3A_800 : i32 to vector<256x1xi32>
      %and3A_802 = arith.andi %shift_right_logical3A_799, %and3A_801 : vector<256x1xi32>
      %eq3A_803 = arith.constant 0 : i32
      %eq3A_804 = vector.broadcast %eq3A_803 : i32 to vector<256x1xi32>
      %eq3A_805 = arith.cmpi eq, %and3A_802, %eq3A_804 : vector<256x1xi32>
      %get3A_806 = arith.constant 0 : index
      %get3A_807 = arith.constant 0 : index
      %get3A_808 = vector.load %arg6[%get3A_806, %get3A_807] : memref<4x2xf32, #tpu.memory_space<vmem>>, vector<1x1xf32>
      %get3A_809 = vector.extract %get3A_808[0, 0] : f32 from vector<1x1xf32>
      %eq3A_810 = arith.constant 1 : i32
      %eq3A_811 = vector.broadcast %eq3A_810 : i32 to vector<256x1xi32>
      %eq3A_812 = arith.cmpi eq, %and3A_802, %eq3A_811 : vector<256x1xi32>
      %get3A_813 = arith.constant 1 : index
      %get3A_814 = arith.constant 0 : index
      %get3A_815 = vector.load %arg6[%get3A_813, %get3A_814] : memref<4x2xf32, #tpu.memory_space<vmem>>, vector<1x1xf32>
      %get3A_816 = vector.extract %get3A_815[0, 0] : f32 from vector<1x1xf32>
      %eq3A_817 = arith.constant 2 : i32
      %eq3A_818 = vector.broadcast %eq3A_817 : i32 to vector<256x1xi32>
      %eq3A_819 = arith.cmpi eq, %and3A_802, %eq3A_818 : vector<256x1xi32>
      %get3A_820 = arith.constant 2 : index
      %get3A_821 = arith.constant 0 : index
      %get3A_822 = vector.load %arg6[%get3A_820, %get3A_821] : memref<4x2xf32, #tpu.memory_space<vmem>>, vector<1x1xf32>
      %get3A_823 = vector.extract %get3A_822[0, 0] : f32 from vector<1x1xf32>
      %get3A_824 = arith.constant 3 : index
      %get3A_825 = arith.constant 0 : index
      %get3A_826 = vector.load %arg6[%get3A_824, %get3A_825] : memref<4x2xf32, #tpu.memory_space<vmem>>, vector<1x1xf32>
      %get3A_827 = vector.extract %get3A_826[0, 0] : f32 from vector<1x1xf32>
      %broadcast_in_dim3A_828 = vector.broadcast %get3A_823 : f32 to vector<256x1xf32>
      %broadcast_in_dim3A_829 = vector.broadcast %get3A_827 : f32 to vector<256x1xf32>
      %select_n3A_830 = arith.select %eq3A_819, %broadcast_in_dim3A_828, %broadcast_in_dim3A_829 : vector<256x1xi1>, vector<256x1xf32>
      %broadcast_in_dim3A_831 = vector.broadcast %get3A_816 : f32 to vector<256x1xf32>
      %select_n3A_832 = arith.select %eq3A_812, %broadcast_in_dim3A_831, %select_n3A_830 : vector<256x1xi1>, vector<256x1xf32>
      %broadcast_in_dim3A_833 = vector.broadcast %get3A_809 : f32 to vector<256x1xf32>
      %select_n3A_834 = arith.select %eq3A_805, %broadcast_in_dim3A_833, %select_n3A_832 : vector<256x1xi1>, vector<256x1xf32>
      %eq3A_835 = arith.constant 0 : i32
      %eq3A_836 = vector.broadcast %eq3A_835 : i32 to vector<256x1xi32>
      %eq3A_837 = arith.cmpi eq, %and3A_802, %eq3A_836 : vector<256x1xi32>
      %get3A_838 = arith.constant 0 : index
      %get3A_839 = arith.constant 1 : index
      %get3A_840 = vector.load %arg6[%get3A_838, %get3A_839] : memref<4x2xf32, #tpu.memory_space<vmem>>, vector<1x1xf32>
      %get3A_841 = vector.extract %get3A_840[0, 0] : f32 from vector<1x1xf32>
      %eq3A_842 = arith.constant 1 : i32
      %eq3A_843 = vector.broadcast %eq3A_842 : i32 to vector<256x1xi32>
      %eq3A_844 = arith.cmpi eq, %and3A_802, %eq3A_843 : vector<256x1xi32>
      %get3A_845 = arith.constant 1 : index
      %get3A_846 = arith.constant 1 : index
      %get3A_847 = vector.load %arg6[%get3A_845, %get3A_846] : memref<4x2xf32, #tpu.memory_space<vmem>>, vector<1x1xf32>
      %get3A_848 = vector.extract %get3A_847[0, 0] : f32 from vector<1x1xf32>
      %eq3A_849 = arith.constant 2 : i32
      %eq3A_850 = vector.broadcast %eq3A_849 : i32 to vector<256x1xi32>
      %eq3A_851 = arith.cmpi eq, %and3A_802, %eq3A_850 : vector<256x1xi32>
      %get3A_852 = arith.constant 2 : index
      %get3A_853 = arith.constant 1 : index
      %get3A_854 = vector.load %arg6[%get3A_852, %get3A_853] : memref<4x2xf32, #tpu.memory_space<vmem>>, vector<1x1xf32>
      %get3A_855 = vector.extract %get3A_854[0, 0] : f32 from vector<1x1xf32>
      %get3A_856 = arith.constant 3 : index
      %get3A_857 = arith.constant 1 : index
      %get3A_858 = vector.load %arg6[%get3A_856, %get3A_857] : memref<4x2xf32, #tpu.memory_space<vmem>>, vector<1x1xf32>
      %get3A_859 = vector.extract %get3A_858[0, 0] : f32 from vector<1x1xf32>
      %broadcast_in_dim3A_860 = vector.broadcast %get3A_855 : f32 to vector<256x1xf32>
      %broadcast_in_dim3A_861 = vector.broadcast %get3A_859 : f32 to vector<256x1xf32>
      %select_n3A_862 = arith.select %eq3A_851, %broadcast_in_dim3A_860, %broadcast_in_dim3A_861 : vector<256x1xi1>, vector<256x1xf32>
      %broadcast_in_dim3A_863 = vector.broadcast %get3A_848 : f32 to vector<256x1xf32>
      %select_n3A_864 = arith.select %eq3A_844, %broadcast_in_dim3A_863, %select_n3A_862 : vector<256x1xi1>, vector<256x1xf32>
      %broadcast_in_dim3A_865 = vector.broadcast %get3A_841 : f32 to vector<256x1xf32>
      %select_n3A_866 = arith.select %eq3A_837, %broadcast_in_dim3A_865, %select_n3A_864 : vector<256x1xi1>, vector<256x1xf32>
      %broadcast_in_dim3A_867 = arith.constant 0.000000e+00 : f32
      %broadcast_in_dim3A_868 = vector.broadcast %broadcast_in_dim3A_867 : f32 to vector<256x118xf32>
      %concatenate3A_869 = tpu.concatenate %select_n3A_554, %select_n3A_586, %select_n3A_624, %select_n3A_656, %select_n3A_694, %select_n3A_726, %select_n3A_764, %select_n3A_796, %select_n3A_834, %select_n3A_866, %broadcast_in_dim3A_868 in 1 : vector<256x1xf32>, vector<256x1xf32>, vector<256x1xf32>, vector<256x1xf32>, vector<256x1xf32>, vector<256x1xf32>, vector<256x1xf32>, vector<256x1xf32>, vector<256x1xf32>, vector<256x1xf32>, vector<256x118xf32> -> vector<256x128xf32>
      %swap3A_870 = arith.constant 0 : index
      %swap3A_871 = arith.constant 0 : index
      %swap3A_872 = vector.load %arg8[%swap3A_870, %swap3A_871] : memref<256x128xf32, #tpu.memory_space<vmem>>, vector<256x128xf32>
      tpu.vector_store %arg8[%swap3A_870, %swap3A_871], %concatenate3A_869 {strides = array<i32>} : memref<256x128xf32, #tpu.memory_space<vmem>>, vector<256x128xf32>,
    } else {
    }
    return
  }
  func.func @transform_0(%arg0: i32, %arg1: memref<24xi32, #tpu.memory_space<smem>>, %arg2: memref<24xi32, #tpu.memory_space<smem>>) -> (i32, i32) {
    %get3A = arith.index_cast %arg0 : i32 to index
    %get3A_0 = memref.load %arg2[%get3A] : memref<24xi32, #tpu.memory_space<smem>>
    %mul3A = arith.muli %arg0, %get3A_0 : i32
    %c0_i32 = arith.constant 0 : i32
    %c0_i32_1 = arith.constant 0 : i32
    return %mul3A, %c0_i32 : i32, i32
  }
  func.func @transform_1(%arg0: i32, %arg1: memref<24xi32, #tpu.memory_space<smem>>, %arg2: memref<24xi32, #tpu.memory_space<smem>>) -> (i32, i32, i32) {
    %get3A = arith.index_cast %arg0 : i32 to index
    %get3A_0 = memref.load %arg1[%get3A] : memref<24xi32, #tpu.memory_space<smem>>
    %c0_i32 = arith.constant 0 : i32
    %c0_i32_1 = arith.constant 0 : i32
    %c0_i32_2 = arith.constant 0 : i32
    return %get3A_0, %c0_i32, %c0_i32_1 : i32, i32, i32
  }
  func.func @transform_2(%arg0: i32, %arg1: memref<24xi32, #tpu.memory_space<smem>>, %arg2: memref<24xi32, #tpu.memory_space<smem>>) -> (i32, i32, i32) {
    %get3A = arith.index_cast %arg0 : i32 to index
    %get3A_0 = memref.load %arg1[%get3A] : memref<24xi32, #tpu.memory_space<smem>>
    %c0_i32 = arith.constant 0 : i32
    %c0_i32_1 = arith.constant 0 : i32
    %c0_i32_2 = arith.constant 0 : i32
    return %get3A_0, %c0_i32, %c0_i32_1 : i32, i32, i32
  }
  func.func @transform_3(%arg0: i32, %arg1: memref<24xi32, #tpu.memory_space<smem>>, %arg2: memref<24xi32, #tpu.memory_space<smem>>) -> (i32, i32) {
    %c0_i32 = arith.constant 0 : i32
    %c0_i32_0 = arith.constant 0 : i32
    %c0_i32_1 = arith.constant 0 : i32
    return %c0_i32, %c0_i32_0 : i32, i32
  }
  func.func @transform_4(%arg0: i32, %arg1: memref<24xi32, #tpu.memory_space<smem>>, %arg2: memref<24xi32, #tpu.memory_space<smem>>) -> (i32, i32) {
    %c0_i32 = arith.constant 0 : i32
    %c0_i32_0 = arith.constant 0 : i32
    return %arg0, %c0_i32 : i32, i32
  }
  func.func @transform_5(%arg0: i32, %arg1: memref<24xi32, #tpu.memory_space<smem>>, %arg2: memref<24xi32, #tpu.memory_space<smem>>) -> (i32, i32) {
    %c0_i32 = arith.constant 0 : i32
    %c0_i32_0 = arith.constant 0 : i32
    return %arg0, %c0_i32 : i32, i32
  }
}

module attributes {stable_mosaic.version = 14 : i64} {
  func.func @_combine_kernel(%arg0: i32, %arg1: memref<256x256xf32, #tpu.memory_space<vmem>>, %arg2: memref<256x256xf32, #tpu.memory_space<vmem>>, %arg3: memref<256x128xf32, #tpu.memory_space<vmem>>, %arg4: memref<256x1xf32, #tpu.memory_space<vmem>>, %arg5: memref<256x256xf32, #tpu.memory_space<vmem>>, %arg6: memref<256x10xf32, #tpu.memory_space<vmem>>) attributes {dimension_semantics = [#tpu.dimension_semantics<arbitrary>], iteration_bounds = array<i64: 16>, scalar_prefetch = 0 : i64, scratch_operands = 0 : i64, tpu.core_type = #tpu.core_type<tc>, window_params = [{transform_indices = @transform_0, window_bounds = array<i64: 256, 256>}, {transform_indices = @transform_1, window_bounds = array<i64: 256, 256>}, {transform_indices = @transform_2, window_bounds = array<i64: 256, 128>}, {transform_indices = @transform_3, window_bounds = array<i64: 256, 1>}, {transform_indices = @transform_4, window_bounds = array<i64: 256, 256>}, {transform_indices = @transform_5, window_bounds = array<i64: 256, 10>}]} {
    %get3A = arith.constant 0 : index
    %get3A_0 = arith.constant 0 : index
    %get3A_1 = vector.load %arg1[%get3A, %get3A_0] : memref<256x256xf32, #tpu.memory_space<vmem>>, vector<256x256xf32>
    %get3A_2 = arith.constant 0 : index
    %get3A_3 = arith.constant 0 : index
    %get3A_4 = vector.load %arg2[%get3A_2, %get3A_3] : memref<256x256xf32, #tpu.memory_space<vmem>>, vector<256x256xf32>
    %sub3A = arith.subf %get3A_4, %get3A_1 : vector<256x256xf32>
    %add3A = arith.addf %get3A_1, %sub3A : vector<256x256xf32>
    %get3A_5 = arith.constant 0 : index
    %get3A_6 = arith.constant 0 : index
    %get3A_7 = vector.load %arg4[%get3A_5, %get3A_6] : memref<256x1xf32, #tpu.memory_space<vmem>>, vector<256x1xf32>
    %mul3A = vector.broadcast %get3A_7 : vector<256x1xf32> to vector<256x256xf32>
    %mul3A_8 = arith.mulf %add3A, %mul3A : vector<256x256xf32>
    %swap3A = arith.constant 0 : index
    %swap3A_9 = arith.constant 0 : index
    %swap3A_10 = vector.load %arg5[%swap3A, %swap3A_9] : memref<256x256xf32, #tpu.memory_space<vmem>>, vector<256x256xf32>
    tpu.vector_store %arg5[%swap3A, %swap3A_9], %mul3A_8 {strides = array<i32>} : memref<256x256xf32, #tpu.memory_space<vmem>>, vector<256x256xf32>,
    %get3A_11 = arith.constant 0 : index
    %get3A_12 = arith.constant 0 : index
    %get3A_13 = vector.load %arg3[%get3A_11, %get3A_12] : memref<256x128xf32, #tpu.memory_space<vmem>>, vector<256x10xf32>
    %swap3A_14 = arith.constant 0 : index
    %swap3A_15 = arith.constant 0 : index
    %swap3A_16 = vector.load %arg6[%swap3A_14, %swap3A_15] : memref<256x10xf32, #tpu.memory_space<vmem>>, vector<256x10xf32>
    tpu.vector_store %arg6[%swap3A_14, %swap3A_15], %get3A_13 {strides = array<i32>} : memref<256x10xf32, #tpu.memory_space<vmem>>, vector<256x10xf32>,
    return
  }
  func.func @transform_0(%arg0: i32) -> (i32, i32) {
    %c0_i32 = arith.constant 0 : i32
    %c0_i32_0 = arith.constant 0 : i32
    return %arg0, %c0_i32 : i32, i32
  }
  func.func @transform_1(%arg0: i32) -> (i32, i32) {
    %c0_i32 = arith.constant 0 : i32
    %c0_i32_0 = arith.constant 0 : i32
    return %arg0, %c0_i32 : i32, i32
  }
  func.func @transform_2(%arg0: i32) -> (i32, i32) {
    %c0_i32 = arith.constant 0 : i32
    %c0_i32_0 = arith.constant 0 : i32
    return %arg0, %c0_i32 : i32, i32
  }
  func.func @transform_3(%arg0: i32) -> (i32, i32) {
    %c0_i32 = arith.constant 0 : i32
    %c0_i32_0 = arith.constant 0 : i32
    return %arg0, %c0_i32 : i32, i32
  }
  func.func @transform_4(%arg0: i32) -> (i32, i32) {
    %c0_i32 = arith.constant 0 : i32
    %c0_i32_0 = arith.constant 0 : i32
    return %arg0, %c0_i32 : i32, i32
  }
  func.func @transform_5(%arg0: i32) -> (i32, i32) {
    %c0_i32 = arith.constant 0 : i32
    %c0_i32_0 = arith.constant 0 : i32
    return %arg0, %c0_i32 : i32, i32
  }
}

</mosaic_0001>

<sc_bundles>
// kernel: kernel.11.cloned.1.call-start
scs
__scs_entry_jumppad:
0x0: {  	(pc) =	sbr.rel $0x88, $3  }
0x1: {  	(tag) =	ssettag $0x0;
	lr =	simm.s32 $0x1  }
0x2: {  	[smem:$0x3F94] =	sst lr;
	_ =	strace $0xD0000000  }
0x3: {  	_ = 	snop  }
0x4: {  	_ = 	snop  }
0x5: {  	_ = 	snop  }
0x6: {  	_ = 	snop  }
0x7: {  	_ = 	snop  }
__scs_overlays_trampoline_lowered:
0x8: {  	[smem:$0x3FA3] =	sst s0  }
0x9: {  	[smem:$0x3FA4] =	sst s1  }
0xa: {  	[smem:$0x3FA5] =	sst s2  }
0xb: {  	[smem:$0x3FA6] =	sst s3  }
0xc: {  	[smem:$0x3FA7] =	sst s4  }
0xd: {  	[smem:$0x3FA8] =	sst s5  }
0xe: {  	[smem:$0x3FA9] =	sst s6  }
0xf: {  	[smem:$0x3FAA] =	sst s7  }
0x10: {  	[smem:$0x3FAB] =	sst s8  }
0x11: {  	[smem:$0x3FAC] =	sst s9;
	s0 =	simm.s32 @!p0 $0x0  }
0x12: {  	s1 =	sld [smem:$0x3F92];
	s0 =	simm.s32 @p0 $0x1  }
0x13: {  	[smem:$0x3FAD] =	sst s0;
	s0 =	simm.s32 @!p1 $0x0  }
0x14: {  	s2 =	sld [smem:$0x3F91];
	s0 =	simm.s32 @p1 $0x1  }
0x15: {  	[smem:$0x3FAE] =	sst s0;
	s0 =	simm.s32 @!p2 $0x0  }
0x16: {  	s3 =	sld [smem:$0x3FDB];
	s0 =	simm.s32 @p2 $0x1  }
0x17: {  	s4 =	simm.s32 $0x1BF5;
	[smem:$0x3FB0] =	sst s0  }
0x18: {  	s0 =	sld [smem:$0x3F93];
	_ =	swait.ge [sflag:s4], $0x0  }
0x19: {  	s7 =	sld [smem:$0x3F94]  }
0x1a: {  	s8 =	sadd.s32 $0xFFFFE003, lr  }
0x1b: {  	s9 =	sadd.s32 $0xFFFFFEF7, lr;
	s5 =	simm.s32 $0xFFFFFFFF;
	p2 =	slt.u32 s8, $0xFFFFF086  }
0x1c: {  	p1 =	slt.u32 s9, $0xF7A;
	s5 =	simm.s32 @!p2 $0x0  }
0x1d: {  	s5 =	simm.s32 @p1 $0x1;
	p0 =	seq.s32 s7, s2  }
0x1e: {  	s7 =	smul.u32 @!p0 $0xF7A, s2;
	p2 =	seq.s32 @!p0 s5, $0x0  }
0x1f: {  	s9 =	smul.u32 $0xF7A, s1;
	s8 =	simm.s32 @!p0 $0x1BF5;
	p2 =	por !p2, p0  }
0x20: {  	[sflag:s8] =	ssyncset.s32 @!p0 $0xFFFFF086;
	s6 =	sadd.s32 @!p0 s3, s7;
	s7 =	simm.s32 @!p0 $0x108  }
0x21: {  	s3 =	sadd.s32 s3, s9;
	s6 =	sadd.s32 @!p0 $0x88, s6;
	s7 =	simm.s32 @p2 $0x1082  }
0x22: {  	[simem:s7], [sflag:s8] =	dma.local @!p0 [hbm:s6], $0xF7A  }
0x23: {  	s9 =	sor.u32 $0xD0000000, s2;
	s6 =	simm.s32 $0x108;
	_ =	swait.ge @!p0 [sflag:s8], $0x0  }
0x24: {  	s3 =	sadd.s32 $0x88, s3;
	s6 =	simm.s32 @!p1 $0x1082;
	[sflag:s4] =	ssyncset.s32 $0xFFFFF086  }
0x25: {  	[simem:s6], [sflag:s4] =	dma.local [hbm:s3], $0xF7A  }
0x26: {  	[smem:$0x3F94] =	sst s1;
	(tag) =	ssettag s2;
	_ =	strace s9  }
0x27: {  	s1 =	sld [smem:$0x3FA4]  }
0x28: {  	s2 =	sld [smem:$0x3FA5]  }
0x29: {  	s4 =	sld [smem:$0x3FA7]  }
0x2a: {  	p0 =	seq.s32 s5, $0x0;
	s5 =	sld [smem:$0x3FA8]  }
0x2b: {  	s6 =	sld [smem:$0x3FA9]  }
0x2c: {  	s7 =	sld [smem:$0x3FAA]  }
0x2d: {  	s3 =	simm.s32 $0x108;
	s8 =	sld [smem:$0x3FAB]  }
0x2e: {  	s3 =	simm.s32 @!p0 $0x1082;
	s9 =	sld [smem:$0x3FAC]  }
0x2f: {  	lr =	sadd.s32 s0, s3;
	s0 =	sld [smem:$0x3FA3]  }
0x30: {  	s3 =	sld [smem:$0x3FA6]  }
0x31: {  	[smem:$0x3FAF] =	sst s10  }
0x32: {  	s10 =	sld [smem:$0x3FAD];
	_ =	sdelay $0x3  }
0x33: {  	p0 =	seq.s32 s10, $0x1;
	s10 =	sld [smem:$0x3FAF];
	_ =	sdelay $0x3  }
0x34: {  	[smem:$0x3FAF] =	sst s10  }
0x35: {  	s10 =	sld [smem:$0x3FAE];
	_ =	sdelay $0x3  }
0x36: {  	p1 =	seq.s32 s10, $0x1;
	s10 =	sld [smem:$0x3FAF];
	_ =	sdelay $0x3  }
0x37: {  	[smem:$0x3FAF] =	sst s10  }
0x38: {  	s10 =	sld [smem:$0x3FB0]  }
0x39: {  	_ = 	snop;
	(pc) =	sbr.ind lr, $3  }
0x3a: {  	_ = 	snop  }
0x3b: {  	_ = 	snop  }
0x3c: {  	p2 =	seq.s32 s10, $0x1;
	s10 =	sld [smem:$0x3FAF]  }
0x3d: {  	_ =	shalt  }
0x3e: {  	_ =	shalt  }
0x3f: {  	_ =	shalt  }
0x40: {  	_ =	shalt  }
0x41: {  	_ =	shalt  }
0x42: {  	_ =	shalt  }
0x43: {  	_ =	shalt  }
0x44: {  	_ =	shalt  }
0x45: {  	_ =	shalt  }
0x46: {  	_ =	shalt  }
0x47: {  	_ =	shalt  }
0x48: {  	_ =	shalt  }
0x49: {  	_ =	shalt  }
0x4a: {  	_ =	shalt  }
0x4b: {  	_ =	shalt  }
0x4c: {  	_ =	shalt  }
0x4d: {  	_ =	shalt  }
0x4e: {  	_ =	shalt  }
0x4f: {  	_ =	shalt  }
0x50: {  	_ =	shalt  }
0x51: {  	_ =	shalt  }
0x52: {  	_ =	shalt  }
0x53: {  	_ =	shalt  }
0x54: {  	_ =	shalt  }
0x55: {  	_ =	shalt  }
0x56: {  	_ =	shalt  }
0x57: {  	_ =	shalt  }
0x58: {  	_ =	shalt  }
0x59: {  	_ =	shalt  }
0x5a: {  	_ =	shalt  }
0x5b: {  	_ =	shalt  }
0x5c: {  	_ =	shalt  }
0x5d: {  	_ =	shalt  }
0x5e: {  	_ =	shalt  }
0x5f: {  	_ =	shalt  }
0x60: {  	_ =	shalt  }
0x61: {  	_ =	shalt  }
0x62: {  	_ =	shalt  }
0x63: {  	_ =	shalt  }
0x64: {  	_ =	shalt  }
0x65: {  	_ =	shalt  }
0x66: {  	_ =	shalt  }
0x67: {  	_ =	shalt  }
0x68: {  	_ =	shalt  }
0x69: {  	_ =	shalt  }
0x6a: {  	_ =	shalt  }
0x6b: {  	_ =	shalt  }
0x6c: {  	_ =	shalt  }
0x6d: {  	_ =	shalt  }
0x6e: {  	_ =	shalt  }
0x6f: {  	_ =	shalt  }
0x70: {  	_ =	shalt  }
0x71: {  	_ =	shalt  }
0x72: {  	_ =	shalt  }
0x73: {  	_ =	shalt  }
0x74: {  	_ =	shalt  }
0x75: {  	_ =	shalt  }
0x76: {  	_ =	shalt  }
0x77: {  	_ =	shalt  }
0x78: {  	_ =	shalt  }
0x79: {  	_ =	shalt  }
0x7a: {  	_ =	shalt  }
0x7b: {  	_ =	shalt  }
0x7c: {  	_ =	shalt  }
0x7d: {  	_ =	shalt  }
0x7e: {  	_ =	shalt  }
0x7f: {  	_ =	shalt  }
0x80: {  	_ =	shalt  }
0x81: {  	_ =	shalt  }
0x82: {  	_ =	shalt  }
0x83: {  	_ =	shalt  }
0x84: {  	_ =	shalt  }
0x85: {  	_ =	shalt  }
0x86: {  	_ =	shalt  }
0x87: {  	_ =	shalt  }
.Lfunc_end0:
.L_simem_size_0:
called_computation.1_lowered:
.L_overlay_start_0:
0x88: {  	s2 =	sld [smem:$0x3FD9]  }
0x89: {  	s3 =	sld [smem:$0x3FFE];
	_ =	sdelay $0x1  }
0x8a: {  	s1 =	srdreg.scid  }
0x8b: {  	s0 =	sand.u32 $0x1, s1  }
0x8c: {  	s14 =	sshll.u32 s0, $0xA;
	s2 =	sadd.s32 s3, s2  }
0x8d: {  	s2 =	sadd.s32 s2, s14  }
0x8e: {  	[smem:$0x3FBB] =	sst s2  }
0x8f: {  	_ = 	snop  }
0x90: {  	s2 =	sld [smem:$0x3FD0];
	_ =	sdelay $0x2  }
0x91: {  	s15 =	simm.s32 $0xA;
	s4 =	simm.s32 $0x10  }
0x92: {  	[smem:s4], [sflag:s15] =	dma.local [hbm:s2], $0x1  }
0x93: {  	_ =	swait.eq [sflag:s15], $0x1  }
0x94: {  	[sflag:s15] =	ssyncset.done $0x0  }
0x95: {  	s16 =	sld [smem:$0x10];
	[sflag:s15] =	ssyncadd.s32 $0xFFFFFFFF  }
0x96: {  	s17 =	sld [smem:$0x11];
	(tm) =	ssettm $0x1  }
0x97: {  	s18 =	sld [smem:$0x3FFB];
	_ =	sdelay $0x3  }
0x98: {  	_ =	strace s18  }
0x99: {  	s4 =	sld [smem:$0x3FFC];
	_ =	sdelay $0x3  }
0x9a: {  	_ =	strace s4  }
0x9b: {  	s4 =	sld [smem:$0x3FFD];
	_ =	sdelay $0x3  }
0x9c: {  	_ =	strace s4  }
0x9d: {  	_ =	strace $0x8FFFFFFF  }
0x9e: {  	s19 =	sld [smem:$0x3FDB];
	_ =	sdelay $0x1  }
0x9f: {  	s5 =	simm.s32 $_scs_section_size  }
0xa0: {  	s6 =	simm.s32 $_size__tile_overlayer_lowered;
	s7 =	simm.s32 $_tile_overlayer_lowered  }
0xa1: {  	s22 =	simm.s32 $0x1BFF;
	s21 =	sshll.u32 s7, $0x1;
	s4 =	sadd.s32 s5, s19  }
0xa2: {  	s8 =	simm.s32 $0x0;
	s20 =	sshll.u32 s6, $0x1;
	s6 =	sadd.s32 s21, s4  }
0xa3: {  	[timem:s8], [sflag:s22] =	dma.local [hbm:s6], s20  }
0xa4: {  	_ =	swait.ge [sflag:s22], s20  }
0xa5: {  	s5 =	ssub.s32 $0x0, s20;
	[sflag:s22] =	ssyncset.done $0x0  }
0xa6: {  	[sflag:s22] =	ssyncadd.s32 s5;
	_ =	sdelay $0x1  }
0xa7: {  	s23 =	simm.s32 $0x1B8B  }
0xa8: {  	_ =	swait.ge [sflag:s23], $0x1  }
0xa9: {  	[sflag:s23] =	ssyncset.done $0x0  }
0xaa: {  	s25 =	simm.s32 $0x1B8E;
	s24 =	sld [smem:$0x3FFE];
	[sflag:s23] =	ssyncadd.s32 $0xFFFFFFFF  }
0xab: {  	s26 =	simm.s32 $execute0_lowered;
	[smem:$0x3FD2] =	sst s25  }
0xac: {  	s6 =	sshll.u32 s26, $0x1;
	_ =	strace $0x80000049;
	[dreg:$0x1] =	wrdreg $0xFFFFFFFF  }
0xad: {  	s28 =	simm.s32 $_size_execute0_lowered;
	s4 =	sadd.s32 s4, s6;
	[dreg:$0x0] =	wrdreg $0x0  }
0xae: {  	s6 =	sshll.u32 s28, $0x1;
	[dreg:$0x2] =	wrdreg s4  }
0xaf: {  	[dreg:$0x3] =	wrdreg s6  }
0xb0: {  	[dreg:$0x4] =	wrdreg $0xC0  }
0xb1: {  	_ =	task [dreg:s8], $0x5FFFF  }
0xb2: {  	[dreg:$0x1] =	wrdreg $0xFFFFFFFF  }
0xb3: {  	[dreg:$0x0] =	wrdreg $0x60  }
0xb4: {  	[dreg:$0x2] =	wrdreg s24  }
0xb5: {  	[dreg:$0x3] =	wrdreg s17  }
0xb6: {  	[dreg:$0x4] =	wrdreg s16  }
0xb7: {  	[dreg:$0x5] =	wrdreg $0x9  }
0xb8: {  	_ =	task.clear_ibuf [dreg:s8], $0x6FFFF;
	_ =	strace $0x90000049  }
0xb9: {  	s29 =	simm.s32 $0x9;
	_ =	strace $0x8000004B  }
0xba: {  	_ =	swait.ge [sflag:s29], $0x1  }
0xbb: {  	[sflag:s29] =	ssyncadd.s32 $0xFFFFFFFF  }
0xbc: {  	_ =	strace $0x9000004B  }
0xbd: {  	_ =	sfence  }
0xbe: {  	s30 =	sld [smem:$0x0];
	_ =	sdelay $0x2  }
0xbf: {  	s31 =	sshll.u32 s1, $0xD;
	s1 =	sshrl.u32 s1, $0x2  }
0xc0: {  	s3 =	sand.u32 $0x4000, s31;
	s1 =	sadd.s32 s1, s30  }
0xc1: {  	s0 =	sor.u32 s3, s0;
	s1 =	sshll.u32 s1, $0x11  }
0xc2: {  	s0 =	sor.u32 s1, s0  }
0xc3: {  	s0 =	sadd.s32 $0x8F2B, s0  }
0xc4: {  	[sflag:s0] =	ssyncadd.remote.s32 $0x1  }
0xc5: {  	_ =	sfence.sel $0xFFFF  }
0xc6: {  	[dreg:$0x0] =	wrdreg $0xFFFFFFFF;
	(pc) =	sbr.abs _section_cstart, $3  }
0xc7: {  	[dreg:$0x1] =	wrdreg $0xFFFFFFFF  }
0xc8: {  	_ =	task.clear_ibuf [dreg:s8], $0x2FFFF;
	_ =	strace $0x9FFFFFFF  }
0xc9: {  	(tm) =	ssettm $0x7FFFFFFF  }
tec
execute0_lowered:
.L_overlay_start_1:
0x0: {  	(tag) =	ssettag $0x1  }
0x1: {  	s1 =	rddreg [dreg:$0x0]  }
0x2: {  	s5 =	rddreg [dreg:$0x1]  }
0x3: {  	s6 =	rddreg [dreg:$0x2];
	s3 =	srdreg.scid  }
0x4: {  	s0 =	rddreg [dreg:$0x3];
	s2 =	stileid.u32  }
0x5: {  	s11 =	simm.s32 $0x880;
	s12 =	simm.s32 $0x1080;
	s13 =	simm.s32 $0x1880  }
0x6: {  	s14 =	simm.s32 $0x2080;
	s15 =	simm.s32 $0x2880;
	s16 =	simm.s32 $0x3080  }
0x7: {  	s17 =	simm.s32 $0x3880;
	s18 =	simm.s32 $0x4080;
	s19 =	simm.s32 $0x4880  }
0x8: {  	s20 =	simm.s32 $0x5080;
	s21 =	simm.s32 $0x5880;
	s22 =	simm.s32 $0x6080  }
0x9: {  	s23 =	simm.s32 $0x6880;
	s24 =	simm.s32 $0x7080;
	s25 =	simm.s32 $0x7880  }
0xa: {  	s26 =	simm.s32 $0x8080;
	s28 =	simm.s32 $0x1;
	s29 =	simm.s32 $0x2  }
0xb: {  	s4 =	sand.u32 $0x1, s3;
	s3 =	simm.s32 $0x0;
	s7 =	sshll.u32 s2, $0x8  }
0xc: {  	s8 =	sshll.u32 s4, $0x7;
	[smem:$0x7FF] =	sst s3;
	s9 =	ssub.s32 $0x2, s4  }
0xd: {  	s4 =	sadd.s32 $0x30000, s1;
	s7 =	sor.u32 s8, s7;
	s10 =	sshrl.u32 s9, $0x1  }
0xe: {  	_ =	strace $0x8000004A;
	s8 =	sshll.u32 s7, $0x4;
	s9 =	ssub.s32 s9, s10  }
0xf: {  	v2 =	vlaneseq.u32;
	s31 =	sshrl.u32 s7, $0x3;
	s7 =	sshll.u32 s7, $0x5;
	s10 =	simm.s32 $0x80  }
0x10: {  	vm0 =	vmmov $0xffff;
	v1 =	vshrl.u32 v2, $0x3;
	s8 =	sadd.s32 s8, s1;
	s5 =	sadd.s32 s5, s31;
	s6 =	sadd.s32 s6, s7  }
0x11: {  	v0 =	vand.u32 $0x7, v2;
	v2 =	vor.u32 $0x8, v2;
	v1 =	vmul.u32 $0x8, v1;
	s7 =	sadd.s32 $0x48000, s8;
	s8 =	smax.u32 s9, $0x1;
	s9 =	simm.s32 $0x3  }
.LBB2_1:
0x12: {  	[tilespmem:s3], [sflag:$0x3] =	stream.linear.gather [hbm4b:s5+s3], $0x80, $0x38;
	[tilespmem:$0xC080] =	vst v63  }
0x13: {  	_ =	swait.ge [sflag:s9], $0x80  }
0x14: {  	[sflag:s9] =	ssyncset.done $0x0  }
0x15: {  	[sflag:s9] =	ssyncadd.s32 $0xFFFFFF80  }
0x16: {  	v3 =	vld [tilespmem:$0x0];
	_ =	sdelay $0x4  }
0x17: {  	v4 =	vshll.u32 v3, $0x1  }
0x18: {  	v3 =	vand.u32 $0x7, v3;
	v4 =	vand.u32 $0xFFFFFFF0, v4  }
0x19: {  	v3 =	vor.u32 v3, v4  }
0x1a: {  	v4 =	vperm.xlane v3, v0;
	_ =	sdelay $0x1  }
0x1b: {  	v3 =	vperm.xlane v3, v2;
	v4 =	vadd.s32 v1, v4;
	_ =	sdelay $0x1  }
0x1c: {  	v3 =	vadd.s32 v1, v3;
	_ =	sdelay $0x2  }
0x1d: {  	[tilespmem:s10], [sflag:$0x1] =	stream.indirect_vreg.gather [hbm4b:s1+s3], $0x80, v4, vm0, $0xb8;
	[tilespmem:$0xC080] =	vst v63  }
0x1e: {  	_ = 	snop  }
0x1f: {  	[tilespmem:s11], [sflag:$0x1] =	stream.indirect_vreg.gather [hbm4b:s1+s3], $0x80, v3, vm0, $0xb8;
	[tilespmem:$0xC080] =	vst v63  }
0x20: {  	v3 =	vld [tilespmem:$0x10];
	_ =	sdelay $0x4  }
0x21: {  	v57 =	vshll.u32 v3, $0x1  }
0x22: {  	v3 =	vand.u32 $0x7, v3;
	v4 =	vand.u32 $0xFFFFFFF0, v57  }
0x23: {  	v3 =	vor.u32 v3, v4  }
0x24: {  	v4 =	vperm.xlane v3, v0;
	_ =	sdelay $0x1  }
0x25: {  	v3 =	vperm.xlane v3, v2;
	v4 =	vadd.s32 v1, v4;
	_ =	sdelay $0x1  }
0x26: {  	v3 =	vadd.s32 v1, v3;
	_ =	sdelay $0x2  }
0x27: {  	[tilespmem:s12], [sflag:$0x1] =	stream.indirect_vreg.gather [hbm4b:s1+s3], $0x80, v4, vm0, $0xb8;
	[tilespmem:$0xC080] =	vst v63  }
0x28: {  	_ = 	snop  }
0x29: {  	[tilespmem:s13], [sflag:$0x1] =	stream.indirect_vreg.gather [hbm4b:s1+s3], $0x80, v3, vm0, $0xb8;
	[tilespmem:$0xC080] =	vst v63  }
0x2a: {  	v3 =	vld [tilespmem:$0x20];
	_ =	sdelay $0x4  }
0x2b: {  	v58 =	vshll.u32 v3, $0x1  }
0x2c: {  	v3 =	vand.u32 $0x7, v3;
	v4 =	vand.u32 $0xFFFFFFF0, v58  }
0x2d: {  	v3 =	vor.u32 v3, v4  }
0x2e: {  	v4 =	vperm.xlane v3, v0;
	_ =	sdelay $0x1  }
0x2f: {  	v3 =	vperm.xlane v3, v2;
	v4 =	vadd.s32 v1, v4;
	_ =	sdelay $0x1  }
0x30: {  	v3 =	vadd.s32 v1, v3;
	_ =	sdelay $0x2  }
0x31: {  	[tilespmem:s14], [sflag:$0x1] =	stream.indirect_vreg.gather [hbm4b:s1+s3], $0x80, v4, vm0, $0xb8;
	[tilespmem:$0xC080] =	vst v63  }
0x32: {  	_ = 	snop  }
0x33: {  	[tilespmem:s15], [sflag:$0x1] =	stream.indirect_vreg.gather [hbm4b:s1+s3], $0x80, v3, vm0, $0xb8;
	[tilespmem:$0xC080] =	vst v63  }
0x34: {  	v3 =	vld [tilespmem:$0x30];
	_ =	sdelay $0x4  }
0x35: {  	v59 =	vshll.u32 v3, $0x1  }
0x36: {  	v3 =	vand.u32 $0x7, v3;
	v4 =	vand.u32 $0xFFFFFFF0, v59  }
0x37: {  	v3 =	vor.u32 v3, v4  }
0x38: {  	v4 =	vperm.xlane v3, v0;
	_ =	sdelay $0x1  }
0x39: {  	v3 =	vperm.xlane v3, v2;
	v4 =	vadd.s32 v1, v4;
	_ =	sdelay $0x1  }
0x3a: {  	v3 =	vadd.s32 v1, v3;
	_ =	sdelay $0x2  }
0x3b: {  	[tilespmem:s16], [sflag:$0x1] =	stream.indirect_vreg.gather [hbm4b:s1+s3], $0x80, v4, vm0, $0xb8;
	[tilespmem:$0xC080] =	vst v63  }
0x3c: {  	_ = 	snop  }
0x3d: {  	[tilespmem:s17], [sflag:$0x1] =	stream.indirect_vreg.gather [hbm4b:s1+s3], $0x80, v3, vm0, $0xb8;
	[tilespmem:$0xC080] =	vst v63  }
0x3e: {  	v3 =	vld [tilespmem:$0x40];
	_ =	sdelay $0x4  }
0x3f: {  	v60 =	vshll.u32 v3, $0x1  }
0x40: {  	v3 =	vand.u32 $0x7, v3;
	v4 =	vand.u32 $0xFFFFFFF0, v60  }
0x41: {  	v3 =	vor.u32 v3, v4  }
0x42: {  	v4 =	vperm.xlane v3, v0;
	_ =	sdelay $0x1  }
0x43: {  	v3 =	vperm.xlane v3, v2;
	v4 =	vadd.s32 v1, v4;
	_ =	sdelay $0x1  }
0x44: {  	v3 =	vadd.s32 v1, v3;
	_ =	sdelay $0x2  }
0x45: {  	[tilespmem:s18], [sflag:$0x1] =	stream.indirect_vreg.gather [hbm4b:s1+s3], $0x80, v4, vm0, $0xb8;
	[tilespmem:$0xC080] =	vst v63  }
0x46: {  	_ = 	snop  }
0x47: {  	[tilespmem:s19], [sflag:$0x1] =	stream.indirect_vreg.gather [hbm4b:s1+s3], $0x80, v3, vm0, $0xb8;
	[tilespmem:$0xC080] =	vst v63  }
0x48: {  	v3 =	vld [tilespmem:$0x50];
	_ =	sdelay $0x4  }
0x49: {  	v61 =	vshll.u32 v3, $0x1  }
0x4a: {  	v3 =	vand.u32 $0x7, v3;
	v4 =	vand.u32 $0xFFFFFFF0, v61  }
0x4b: {  	v3 =	vor.u32 v3, v4  }
0x4c: {  	v4 =	vperm.xlane v3, v0;
	_ =	sdelay $0x1  }
0x4d: {  	v3 =	vperm.xlane v3, v2;
	v4 =	vadd.s32 v1, v4;
	_ =	sdelay $0x1  }
0x4e: {  	v3 =	vadd.s32 v1, v3;
	_ =	sdelay $0x2  }
0x4f: {  	[tilespmem:s20], [sflag:$0x1] =	stream.indirect_vreg.gather [hbm4b:s1+s3], $0x80, v4, vm0, $0xb8;
	[tilespmem:$0xC080] =	vst v63  }
0x50: {  	_ = 	snop  }
0x51: {  	[tilespmem:s21], [sflag:$0x1] =	stream.indirect_vreg.gather [hbm4b:s1+s3], $0x80, v3, vm0, $0xb8;
	[tilespmem:$0xC080] =	vst v63  }
0x52: {  	v3 =	vld [tilespmem:$0x60];
	_ =	sdelay $0x4  }
0x53: {  	v62 =	vshll.u32 v3, $0x1  }
0x54: {  	v3 =	vand.u32 $0x7, v3;
	v4 =	vand.u32 $0xFFFFFFF0, v62  }
0x55: {  	v3 =	vor.u32 v3, v4  }
0x56: {  	v4 =	vperm.xlane v3, v0;
	_ =	sdelay $0x1  }
0x57: {  	v3 =	vperm.xlane v3, v2;
	v4 =	vadd.s32 v1, v4;
	_ =	sdelay $0x1  }
0x58: {  	v3 =	vadd.s32 v1, v3;
	_ =	sdelay $0x2  }
0x59: {  	[tilespmem:s22], [sflag:$0x1] =	stream.indirect_vreg.gather [hbm4b:s1+s3], $0x80, v4, vm0, $0xb8;
	[tilespmem:$0xC080] =	vst v63  }
0x5a: {  	_ = 	snop  }
0x5b: {  	[tilespmem:s23], [sflag:$0x1] =	stream.indirect_vreg.gather [hbm4b:s1+s3], $0x80, v3, vm0, $0xb8;
	[tilespmem:$0xC080] =	vst v63  }
0x5c: {  	v3 =	vld [tilespmem:$0x70];
	_ =	sdelay $0x4  }
0x5d: {  	v63 =	vshll.u32 v3, $0x1  }
0x5e: {  	v3 =	vand.u32 $0x7, v3;
	v4 =	vand.u32 $0xFFFFFFF0, v63  }
0x5f: {  	v3 =	vor.u32 v3, v4  }
0x60: {  	v4 =	vperm.xlane v3, v0;
	_ =	sdelay $0x1  }
0x61: {  	v3 =	vperm.xlane v3, v2;
	v4 =	vadd.s32 v1, v4;
	_ =	sdelay $0x1  }
0x62: {  	v3 =	vadd.s32 v1, v3;
	_ =	sdelay $0x2  }
0x63: {  	[tilespmem:s24], [sflag:$0x1] =	stream.indirect_vreg.gather [hbm4b:s1+s3], $0x80, v4, vm0, $0xb8;
	[tilespmem:$0xC080] =	vst v63  }
0x64: {  	_ = 	snop  }
0x65: {  	[tilespmem:s25], [sflag:$0x1] =	stream.indirect_vreg.gather [hbm4b:s1+s3], $0x80, v3, vm0, $0xb8;
	[tilespmem:$0xC080] =	vst v63  }
0x66: {  	_ = 	snop  }
0x67: {  	[tilespmem:s26], [sflag:$0x2] =	stream.indirect.gather [hbm4b:s4+s10], $0x80, s3, s10, $0xb8;
	[tilespmem:$0xC080] =	vst v63  }
0x68: {  	_ =	swait.ge [sflag:s28], $0x8000  }
0x69: {  	[sflag:s28] =	ssyncset.done $0x0  }
0x6a: {  	[sflag:s28] =	ssyncadd.s32 $0xFFFF8000  }
0x6b: {  	[hbm4b:s6+s3] =	stream.linear.scatter [tilespmem:s10], [sflag:$0x3], $0x8000, $0x38;
	[tilespmem:$0xC080] =	vst v63  }
0x6c: {  	_ =	swait.ge [sflag:s9], $0x8000  }
0x6d: {  	[sflag:s9] =	ssyncset.done $0x0  }
0x6e: {  	[sflag:s9] =	ssyncadd.s32 $0xFFFF8000  }
0x6f: {  	_ =	swait.ge [sflag:s29], $0x4000  }
0x70: {  	p0 =	sne.s32 s8, $0x1;
	[sflag:s29] =	ssyncset.done $0x0  }
.Ltmp0:
0x71: {  	[sflag:s29] =	ssyncadd.s32 $0xFFFFC000;
	(pc) =	sbr.rel @p0 .LBB2_1-.Ltmp0, $4  }
0x72: {  	[hbm4b:s7+s3] =	stream.linear.scatter [tilespmem:s26], [sflag:$0x3], $0x4000, $0x38;
	[tilespmem:$0xC080] =	vst v63  }
0x73: {  	_ =	swait.ge [sflag:s9], $0x4000  }
0x74: {  	[sflag:s9] =	ssyncset.done $0x0  }
0x75: {  	s8 =	sadd.s32 $0xFFFFFFFF, s8;
	[sflag:s9] =	ssyncadd.s32 $0xFFFFC000  }
0x76: {  	_ =	sfence.sel $0x180000  }
0x77: {  	[bflag:$0x0] =	sbarrier.arrive $0xFFFF  }
0x78: {  	p0 =	sne.s32 s2, $0x0;
	_ =	strace $0x9000004A  }
0x79: {  	s0 =	sadd.s32 @!p0 $0x100000, s0;
	[bflag:$0x2] =	sbarrier.arrive $0xFFFF  }
0x7a: {  	[sflag:s0] =	ssyncadd.tile.s32 @!p0 $0x1;
	_ =	shalt  }
.Lfunc_end2:
_tile_overlayer_lowered:
.L_overlay_start_2:
0x7b: {  	(tag) =	ssettag $0x2  }
0x7c: {  	s0 =	rddreg [dreg:$0x0];
	s2 =	stileid.u32  }
0x7d: {  	s1 =	rddreg [dreg:$0x1];
	p0 =	sne.s32 s2, $0x0  }
0x7e: {  	s3 =	rddreg [dreg:$0x2];
	[bflag:$0x3] =	sbarrier.arrive $0xFFFF;
	s2 =	simm.s32 @!p0 $0x1C03  }
0x7f: {  	[timem:s3], [sflag:s2] =	dma.local @!p0 [hbm:s0], s1  }
0x80: {  	s0 =	simm.s32 @!p0 $0x3  }
0x81: {  	_ =	swait.ge @!p0 [sflag:s0], s1  }
0x82: {  	s1 =	ssub.s32 @!p0 $0x0, s1;
	[sflag:s0] =	ssyncset.done @!p0 $0x0  }
0x83: {  	[sflag:s0] =	ssyncadd.s32 @!p0 s1  }
0x84: {  	[bflag:$0x3] =	sbarrier.arrive $0xFFFF  }
0x85: {  	_ =	shalt  }

// kernel: kernel.8.cloned.1.call-start
scs
__scs_entry_jumppad:
0x0: {  	(pc) =	sbr.rel $0x88, $3  }
0x1: {  	(tag) =	ssettag $0x0;
	lr =	simm.s32 $0x1  }
0x2: {  	[smem:$0x3F94] =	sst lr;
	_ =	strace $0xD0000000  }
0x3: {  	_ = 	snop  }
0x4: {  	_ = 	snop  }
0x5: {  	_ = 	snop  }
0x6: {  	_ = 	snop  }
0x7: {  	_ = 	snop  }
__scs_overlays_trampoline_lowered:
0x8: {  	[smem:$0x3FA3] =	sst s0  }
0x9: {  	[smem:$0x3FA4] =	sst s1  }
0xa: {  	[smem:$0x3FA5] =	sst s2  }
0xb: {  	[smem:$0x3FA6] =	sst s3  }
0xc: {  	[smem:$0x3FA7] =	sst s4  }
0xd: {  	[smem:$0x3FA8] =	sst s5  }
0xe: {  	[smem:$0x3FA9] =	sst s6  }
0xf: {  	[smem:$0x3FAA] =	sst s7  }
0x10: {  	[smem:$0x3FAB] =	sst s8  }
0x11: {  	[smem:$0x3FAC] =	sst s9;
	s0 =	simm.s32 @!p0 $0x0  }
0x12: {  	s1 =	sld [smem:$0x3F92];
	s0 =	simm.s32 @p0 $0x1  }
0x13: {  	[smem:$0x3FAD] =	sst s0;
	s0 =	simm.s32 @!p1 $0x0  }
0x14: {  	s2 =	sld [smem:$0x3F91];
	s0 =	simm.s32 @p1 $0x1  }
0x15: {  	[smem:$0x3FAE] =	sst s0;
	s0 =	simm.s32 @!p2 $0x0  }
0x16: {  	s3 =	sld [smem:$0x3FDB];
	s0 =	simm.s32 @p2 $0x1  }
0x17: {  	s4 =	simm.s32 $0x1BF5;
	[smem:$0x3FB0] =	sst s0  }
0x18: {  	s0 =	sld [smem:$0x3F93];
	_ =	swait.ge [sflag:s4], $0x0  }
0x19: {  	s7 =	sld [smem:$0x3F94]  }
0x1a: {  	s8 =	sadd.s32 $0xFFFFE003, lr  }
0x1b: {  	s9 =	sadd.s32 $0xFFFFFEF7, lr;
	s5 =	simm.s32 $0xFFFFFFFF;
	p2 =	slt.u32 s8, $0xFFFFF086  }
0x1c: {  	p1 =	slt.u32 s9, $0xF7A;
	s5 =	simm.s32 @!p2 $0x0  }
0x1d: {  	s5 =	simm.s32 @p1 $0x1;
	p0 =	seq.s32 s7, s2  }
0x1e: {  	s7 =	smul.u32 @!p0 $0xF7A, s2;
	p2 =	seq.s32 @!p0 s5, $0x0  }
0x1f: {  	s9 =	smul.u32 $0xF7A, s1;
	s8 =	simm.s32 @!p0 $0x1BF5;
	p2 =	por !p2, p0  }
0x20: {  	[sflag:s8] =	ssyncset.s32 @!p0 $0xFFFFF086;
	s6 =	sadd.s32 @!p0 s3, s7;
	s7 =	simm.s32 @!p0 $0x108  }
0x21: {  	s3 =	sadd.s32 s3, s9;
	s6 =	sadd.s32 @!p0 $0x88, s6;
	s7 =	simm.s32 @p2 $0x1082  }
0x22: {  	[simem:s7], [sflag:s8] =	dma.local @!p0 [hbm:s6], $0xF7A  }
0x23: {  	s9 =	sor.u32 $0xD0000000, s2;
	s6 =	simm.s32 $0x108;
	_ =	swait.ge @!p0 [sflag:s8], $0x0  }
0x24: {  	s3 =	sadd.s32 $0x88, s3;
	s6 =	simm.s32 @!p1 $0x1082;
	[sflag:s4] =	ssyncset.s32 $0xFFFFF086  }
0x25: {  	[simem:s6], [sflag:s4] =	dma.local [hbm:s3], $0xF7A  }
0x26: {  	[smem:$0x3F94] =	sst s1;
	(tag) =	ssettag s2;
	_ =	strace s9  }
0x27: {  	s1 =	sld [smem:$0x3FA4]  }
0x28: {  	s2 =	sld [smem:$0x3FA5]  }
0x29: {  	s4 =	sld [smem:$0x3FA7]  }
0x2a: {  	p0 =	seq.s32 s5, $0x0;
	s5 =	sld [smem:$0x3FA8]  }
0x2b: {  	s6 =	sld [smem:$0x3FA9]  }
0x2c: {  	s7 =	sld [smem:$0x3FAA]  }
0x2d: {  	s3 =	simm.s32 $0x108;
	s8 =	sld [smem:$0x3FAB]  }
0x2e: {  	s3 =	simm.s32 @!p0 $0x1082;
	s9 =	sld [smem:$0x3FAC]  }
0x2f: {  	lr =	sadd.s32 s0, s3;
	s0 =	sld [smem:$0x3FA3]  }
0x30: {  	s3 =	sld [smem:$0x3FA6]  }
0x31: {  	[smem:$0x3FAF] =	sst s10  }
0x32: {  	s10 =	sld [smem:$0x3FAD];
	_ =	sdelay $0x3  }
0x33: {  	p0 =	seq.s32 s10, $0x1;
	s10 =	sld [smem:$0x3FAF];
	_ =	sdelay $0x3  }
0x34: {  	[smem:$0x3FAF] =	sst s10  }
0x35: {  	s10 =	sld [smem:$0x3FAE];
	_ =	sdelay $0x3  }
0x36: {  	p1 =	seq.s32 s10, $0x1;
	s10 =	sld [smem:$0x3FAF];
	_ =	sdelay $0x3  }
0x37: {  	[smem:$0x3FAF] =	sst s10  }
0x38: {  	s10 =	sld [smem:$0x3FB0]  }
0x39: {  	_ = 	snop;
	(pc) =	sbr.ind lr, $3  }
0x3a: {  	_ = 	snop  }
0x3b: {  	_ = 	snop  }
0x3c: {  	p2 =	seq.s32 s10, $0x1;
	s10 =	sld [smem:$0x3FAF]  }
0x3d: {  	_ =	shalt  }
0x3e: {  	_ =	shalt  }
0x3f: {  	_ =	shalt  }
0x40: {  	_ =	shalt  }
0x41: {  	_ =	shalt  }
0x42: {  	_ =	shalt  }
0x43: {  	_ =	shalt  }
0x44: {  	_ =	shalt  }
0x45: {  	_ =	shalt  }
0x46: {  	_ =	shalt  }
0x47: {  	_ =	shalt  }
0x48: {  	_ =	shalt  }
0x49: {  	_ =	shalt  }
0x4a: {  	_ =	shalt  }
0x4b: {  	_ =	shalt  }
0x4c: {  	_ =	shalt  }
0x4d: {  	_ =	shalt  }
0x4e: {  	_ =	shalt  }
0x4f: {  	_ =	shalt  }
0x50: {  	_ =	shalt  }
0x51: {  	_ =	shalt  }
0x52: {  	_ =	shalt  }
0x53: {  	_ =	shalt  }
0x54: {  	_ =	shalt  }
0x55: {  	_ =	shalt  }
0x56: {  	_ =	shalt  }
0x57: {  	_ =	shalt  }
0x58: {  	_ =	shalt  }
0x59: {  	_ =	shalt  }
0x5a: {  	_ =	shalt  }
0x5b: {  	_ =	shalt  }
0x5c: {  	_ =	shalt  }
0x5d: {  	_ =	shalt  }
0x5e: {  	_ =	shalt  }
0x5f: {  	_ =	shalt  }
0x60: {  	_ =	shalt  }
0x61: {  	_ =	shalt  }
0x62: {  	_ =	shalt  }
0x63: {  	_ =	shalt  }
0x64: {  	_ =	shalt  }
0x65: {  	_ =	shalt  }
0x66: {  	_ =	shalt  }
0x67: {  	_ =	shalt  }
0x68: {  	_ =	shalt  }
0x69: {  	_ =	shalt  }
0x6a: {  	_ =	shalt  }
0x6b: {  	_ =	shalt  }
0x6c: {  	_ =	shalt  }
0x6d: {  	_ =	shalt  }
0x6e: {  	_ =	shalt  }
0x6f: {  	_ =	shalt  }
0x70: {  	_ =	shalt  }
0x71: {  	_ =	shalt  }
0x72: {  	_ =	shalt  }
0x73: {  	_ =	shalt  }
0x74: {  	_ =	shalt  }
0x75: {  	_ =	shalt  }
0x76: {  	_ =	shalt  }
0x77: {  	_ =	shalt  }
0x78: {  	_ =	shalt  }
0x79: {  	_ =	shalt  }
0x7a: {  	_ =	shalt  }
0x7b: {  	_ =	shalt  }
0x7c: {  	_ =	shalt  }
0x7d: {  	_ =	shalt  }
0x7e: {  	_ =	shalt  }
0x7f: {  	_ =	shalt  }
0x80: {  	_ =	shalt  }
0x81: {  	_ =	shalt  }
0x82: {  	_ =	shalt  }
0x83: {  	_ =	shalt  }
0x84: {  	_ =	shalt  }
0x85: {  	_ =	shalt  }
0x86: {  	_ =	shalt  }
0x87: {  	_ =	shalt  }
.Lfunc_end0:
.L_simem_size_0:
called_computation_lowered:
.L_overlay_start_0:
0x88: {  	s2 =	sld [smem:$0x3FD9]  }
0x89: {  	s3 =	sld [smem:$0x3FFE];
	_ =	sdelay $0x1  }
0x8a: {  	s1 =	srdreg.scid  }
0x8b: {  	s0 =	sand.u32 $0x1, s1  }
0x8c: {  	s14 =	sshll.u32 s0, $0xA;
	s2 =	sadd.s32 s3, s2  }
0x8d: {  	s2 =	sadd.s32 s2, s14  }
0x8e: {  	[smem:$0x3FBB] =	sst s2  }
0x8f: {  	_ = 	snop  }
0x90: {  	s2 =	sld [smem:$0x3FD0];
	_ =	sdelay $0x2  }
0x91: {  	s4 =	simm.s32 $0xA;
	s5 =	simm.s32 $0x10;
	s15 =	sld [smem:$0x3FC9]  }
0x92: {  	[smem:s5], [sflag:s4] =	dma.local [hbm:s2], $0x1  }
0x93: {  	_ =	swait.eq [sflag:s4], $0x1  }
0x94: {  	[sflag:s4] =	ssyncset.done $0x0  }
0x95: {  	[sflag:s4] =	ssyncadd.s32 $0xFFFFFFFF  }
0x96: {  	s16 =	sld [smem:$0x11];
	(tm) =	ssettm $0x1  }
0x97: {  	s17 =	sld [smem:$0x3FFB];
	_ =	sdelay $0x3  }
0x98: {  	_ =	strace s17  }
0x99: {  	s4 =	sld [smem:$0x3FFC];
	_ =	sdelay $0x3  }
0x9a: {  	_ =	strace s4  }
0x9b: {  	s4 =	sld [smem:$0x3FFD];
	_ =	sdelay $0x3  }
0x9c: {  	_ =	strace s4  }
0x9d: {  	_ =	strace $0x8FFFFFFF  }
0x9e: {  	s18 =	sld [smem:$0x3FDB];
	_ =	sdelay $0x1  }
0x9f: {  	s19 =	simm.s32 $_scs_section_size  }
0xa0: {  	s6 =	simm.s32 $_size__tile_overlayer_lowered;
	s7 =	simm.s32 $_tile_overlayer_lowered  }
0xa1: {  	s22 =	simm.s32 $0x1BFF;
	s21 =	sshll.u32 s7, $0x1;
	s4 =	sadd.s32 s19, s18  }
0xa2: {  	s8 =	simm.s32 $0x0;
	s20 =	sshll.u32 s6, $0x1;
	s6 =	sadd.s32 s21, s4  }
0xa3: {  	[timem:s8], [sflag:s22] =	dma.local [hbm:s6], s20  }
0xa4: {  	_ =	swait.ge [sflag:s22], s20  }
0xa5: {  	s5 =	ssub.s32 $0x0, s20;
	[sflag:s22] =	ssyncset.done $0x0  }
0xa6: {  	[sflag:s22] =	ssyncadd.s32 s5;
	_ =	sdelay $0x1  }
0xa7: {  	s23 =	simm.s32 $0x1B8B  }
0xa8: {  	_ =	swait.ge [sflag:s23], $0x1  }
0xa9: {  	[sflag:s23] =	ssyncset.done $0x0  }
0xaa: {  	s25 =	simm.s32 $0x1B8E;
	s24 =	sld [smem:$0x3FFE];
	[sflag:s23] =	ssyncadd.s32 $0xFFFFFFFF  }
0xab: {  	s26 =	simm.s32 $execute0_lowered;
	[smem:$0x3FD2] =	sst s25  }
0xac: {  	s6 =	sshll.u32 s26, $0x1;
	_ =	strace $0x80000046;
	[dreg:$0x1] =	wrdreg $0xFFFFFFFF  }
0xad: {  	s28 =	simm.s32 $_size_execute0_lowered;
	s4 =	sadd.s32 s4, s6;
	[dreg:$0x0] =	wrdreg $0x0  }
0xae: {  	s6 =	sshll.u32 s28, $0x1;
	[dreg:$0x2] =	wrdreg s4  }
0xaf: {  	[dreg:$0x3] =	wrdreg s6  }
0xb0: {  	[dreg:$0x4] =	wrdreg $0xC0  }
0xb1: {  	_ =	task [dreg:s8], $0x5FFFF  }
0xb2: {  	[dreg:$0x1] =	wrdreg $0xFFFFFFFF  }
0xb3: {  	[dreg:$0x0] =	wrdreg $0x60  }
0xb4: {  	[dreg:$0x2] =	wrdreg s15  }
0xb5: {  	[dreg:$0x3] =	wrdreg s16  }
0xb6: {  	[dreg:$0x4] =	wrdreg s24  }
0xb7: {  	[dreg:$0x5] =	wrdreg $0x9  }
0xb8: {  	_ =	task.clear_ibuf [dreg:s8], $0x6FFFF;
	_ =	strace $0x90000046  }
0xb9: {  	s29 =	simm.s32 $0x9;
	_ =	strace $0x80000048  }
0xba: {  	_ =	swait.ge [sflag:s29], $0x1  }
0xbb: {  	[sflag:s29] =	ssyncadd.s32 $0xFFFFFFFF  }
0xbc: {  	_ =	strace $0x90000048  }
0xbd: {  	_ =	sfence  }
0xbe: {  	s30 =	sld [smem:$0x0];
	_ =	sdelay $0x2  }
0xbf: {  	s31 =	sshll.u32 s1, $0xD;
	s1 =	sshrl.u32 s1, $0x2  }
0xc0: {  	s3 =	sand.u32 $0x4000, s31;
	s1 =	sadd.s32 s1, s30  }
0xc1: {  	s0 =	sor.u32 s3, s0;
	s1 =	sshll.u32 s1, $0x11  }
0xc2: {  	s0 =	sor.u32 s1, s0  }
0xc3: {  	s0 =	sadd.s32 $0x8F2B, s0  }
0xc4: {  	[sflag:s0] =	ssyncadd.remote.s32 $0x1  }
0xc5: {  	_ =	sfence.sel $0xFFFF  }
0xc6: {  	[dreg:$0x0] =	wrdreg $0xFFFFFFFF;
	(pc) =	sbr.abs _section_cstart, $3  }
0xc7: {  	[dreg:$0x1] =	wrdreg $0xFFFFFFFF  }
0xc8: {  	_ =	task.clear_ibuf [dreg:s8], $0x2FFFF;
	_ =	strace $0x9FFFFFFF  }
0xc9: {  	(tm) =	ssettm $0x7FFFFFFF  }
tec
execute0_lowered:
.L_overlay_start_1:
0x0: {  	(tag) =	ssettag $0x1  }
0x1: {  	s5 =	rddreg [dreg:$0x0]  }
0x2: {  	s4 =	rddreg [dreg:$0x1]  }
0x3: {  	s1 =	rddreg [dreg:$0x2]  }
0x4: {  	s0 =	rddreg [dreg:$0x3];
	s3 =	simm.s32 $0x0;
	s6 =	srdreg.scid  }
0x5: {  	s2 =	stileid.u32;
	s10 =	simm.s32 $0x1080;
	s11 =	simm.s32 $0x1880  }
0x6: {  	s12 =	simm.s32 $0x2080;
	s13 =	simm.s32 $0x2880;
	s14 =	simm.s32 $0x3080  }
0x7: {  	s15 =	simm.s32 $0x3880;
	s16 =	simm.s32 $0x4080;
	s17 =	simm.s32 $0x4880  }
0x8: {  	s18 =	simm.s32 $0x5080;
	s19 =	simm.s32 $0x5880;
	s20 =	simm.s32 $0x6080  }
0x9: {  	s21 =	simm.s32 $0x6880;
	s22 =	simm.s32 $0x7080;
	s23 =	simm.s32 $0x7880  }
0xa: {  	s24 =	simm.s32 $0x1;
	[smem:$0x7FF] =	sst s3;
	s6 =	sand.u32 $0x1, s6  }
0xb: {  	s8 =	sshll.u32 s2, $0x8;
	s7 =	ssub.s32 $0x2, s6;
	s6 =	sshll.u32 s6, $0x7  }
0xc: {  	_ =	strace $0x80000047;
	s9 =	sshrl.u32 s7, $0x1;
	s6 =	sor.u32 s6, s8  }
0xd: {  	v2 =	vlaneseq.u32;
	s7 =	ssub.s32 s7, s9;
	s8 =	sshrl.u32 s6, $0x3;
	s6 =	sshll.u32 s6, $0x5  }
0xe: {  	vm0 =	vmmov $0xffff;
	v1 =	vshrl.u32 v2, $0x3;
	s9 =	simm.s32 $0x880;
	s4 =	sadd.s32 s4, s8;
	s5 =	sadd.s32 s5, s6  }
0xf: {  	v0 =	vand.u32 $0x7, v2;
	v2 =	vor.u32 $0x8, v2;
	v1 =	vmul.u32 $0x8, v1;
	s6 =	smax.u32 s7, $0x1;
	s7 =	simm.s32 $0x2;
	s8 =	simm.s32 $0x80  }
.LBB2_1:
0x10: {  	[tilespmem:s3], [sflag:$0x2] =	stream.linear.gather [hbm4b:s4+s3], $0x80, $0x38;
	[tilespmem:$0x8080] =	vst v63  }
0x11: {  	_ =	swait.ge [sflag:s7], $0x80  }
0x12: {  	[sflag:s7] =	ssyncset.done $0x0  }
0x13: {  	[sflag:s7] =	ssyncadd.s32 $0xFFFFFF80  }
0x14: {  	[tilespmem:s8], [sflag:$0x2] =	stream.linear.gather [hbm4b:s5+s3], $0x8000, $0x38;
	[tilespmem:$0x8080] =	vst v63  }
0x15: {  	_ =	swait.ge [sflag:s7], $0x8000  }
0x16: {  	[sflag:s7] =	ssyncset.done $0x0  }
0x17: {  	[sflag:s7] =	ssyncadd.s32 $0xFFFF8000  }
0x18: {  	v3 =	vld [tilespmem:$0x0];
	_ =	sdelay $0x4  }
0x19: {  	v4 =	vshll.u32 v3, $0x1  }
0x1a: {  	v3 =	vand.u32 $0x7, v3;
	v4 =	vand.u32 $0xFFFFFFF0, v4  }
0x1b: {  	v3 =	vor.u32 v3, v4  }
0x1c: {  	v4 =	vperm.xlane v3, v0;
	_ =	sdelay $0x1  }
0x1d: {  	v3 =	vperm.xlane v3, v2;
	v4 =	vadd.s32 v1, v4;
	_ =	sdelay $0x1  }
0x1e: {  	v3 =	vadd.s32 v1, v3;
	_ =	sdelay $0x2  }
0x1f: {  	[hbm4b:s1+s3] =	stream.indirect_vreg.scatter [tilespmem:s8], [sflag:$0x1], $0x80, v4, vm0, $0xb8;
	[tilespmem:$0x8080] =	vst v63  }
0x20: {  	_ = 	snop  }
0x21: {  	[hbm4b:s1+s3] =	stream.indirect_vreg.scatter [tilespmem:s9], [sflag:$0x1], $0x80, v3, vm0, $0xb8;
	[tilespmem:$0x8080] =	vst v63  }
0x22: {  	v3 =	vld [tilespmem:$0x10];
	_ =	sdelay $0x4  }
0x23: {  	v57 =	vshll.u32 v3, $0x1  }
0x24: {  	v3 =	vand.u32 $0x7, v3;
	v4 =	vand.u32 $0xFFFFFFF0, v57  }
0x25: {  	v3 =	vor.u32 v3, v4  }
0x26: {  	v4 =	vperm.xlane v3, v0;
	_ =	sdelay $0x1  }
0x27: {  	v3 =	vperm.xlane v3, v2;
	v4 =	vadd.s32 v1, v4;
	_ =	sdelay $0x1  }
0x28: {  	v3 =	vadd.s32 v1, v3;
	_ =	sdelay $0x2  }
0x29: {  	[hbm4b:s1+s3] =	stream.indirect_vreg.scatter [tilespmem:s10], [sflag:$0x1], $0x80, v4, vm0, $0xb8;
	[tilespmem:$0x8080] =	vst v63  }
0x2a: {  	_ = 	snop  }
0x2b: {  	[hbm4b:s1+s3] =	stream.indirect_vreg.scatter [tilespmem:s11], [sflag:$0x1], $0x80, v3, vm0, $0xb8;
	[tilespmem:$0x8080] =	vst v63  }
0x2c: {  	v3 =	vld [tilespmem:$0x20];
	_ =	sdelay $0x4  }
0x2d: {  	v58 =	vshll.u32 v3, $0x1  }
0x2e: {  	v3 =	vand.u32 $0x7, v3;
	v4 =	vand.u32 $0xFFFFFFF0, v58  }
0x2f: {  	v3 =	vor.u32 v3, v4  }
0x30: {  	v4 =	vperm.xlane v3, v0;
	_ =	sdelay $0x1  }
0x31: {  	v3 =	vperm.xlane v3, v2;
	v4 =	vadd.s32 v1, v4;
	_ =	sdelay $0x1  }
0x32: {  	v3 =	vadd.s32 v1, v3;
	_ =	sdelay $0x2  }
0x33: {  	[hbm4b:s1+s3] =	stream.indirect_vreg.scatter [tilespmem:s12], [sflag:$0x1], $0x80, v4, vm0, $0xb8;
	[tilespmem:$0x8080] =	vst v63  }
0x34: {  	_ = 	snop  }
0x35: {  	[hbm4b:s1+s3] =	stream.indirect_vreg.scatter [tilespmem:s13], [sflag:$0x1], $0x80, v3, vm0, $0xb8;
	[tilespmem:$0x8080] =	vst v63  }
0x36: {  	v3 =	vld [tilespmem:$0x30];
	_ =	sdelay $0x4  }
0x37: {  	v59 =	vshll.u32 v3, $0x1  }
0x38: {  	v3 =	vand.u32 $0x7, v3;
	v4 =	vand.u32 $0xFFFFFFF0, v59  }
0x39: {  	v3 =	vor.u32 v3, v4  }
0x3a: {  	v4 =	vperm.xlane v3, v0;
	_ =	sdelay $0x1  }
0x3b: {  	v3 =	vperm.xlane v3, v2;
	v4 =	vadd.s32 v1, v4;
	_ =	sdelay $0x1  }
0x3c: {  	v3 =	vadd.s32 v1, v3;
	_ =	sdelay $0x2  }
0x3d: {  	[hbm4b:s1+s3] =	stream.indirect_vreg.scatter [tilespmem:s14], [sflag:$0x1], $0x80, v4, vm0, $0xb8;
	[tilespmem:$0x8080] =	vst v63  }
0x3e: {  	_ = 	snop  }
0x3f: {  	[hbm4b:s1+s3] =	stream.indirect_vreg.scatter [tilespmem:s15], [sflag:$0x1], $0x80, v3, vm0, $0xb8;
	[tilespmem:$0x8080] =	vst v63  }
0x40: {  	v3 =	vld [tilespmem:$0x40];
	_ =	sdelay $0x4  }
0x41: {  	v60 =	vshll.u32 v3, $0x1  }
0x42: {  	v3 =	vand.u32 $0x7, v3;
	v4 =	vand.u32 $0xFFFFFFF0, v60  }
0x43: {  	v3 =	vor.u32 v3, v4  }
0x44: {  	v4 =	vperm.xlane v3, v0;
	_ =	sdelay $0x1  }
0x45: {  	v3 =	vperm.xlane v3, v2;
	v4 =	vadd.s32 v1, v4;
	_ =	sdelay $0x1  }
0x46: {  	v3 =	vadd.s32 v1, v3;
	_ =	sdelay $0x2  }
0x47: {  	[hbm4b:s1+s3] =	stream.indirect_vreg.scatter [tilespmem:s16], [sflag:$0x1], $0x80, v4, vm0, $0xb8;
	[tilespmem:$0x8080] =	vst v63  }
0x48: {  	_ = 	snop  }
0x49: {  	[hbm4b:s1+s3] =	stream.indirect_vreg.scatter [tilespmem:s17], [sflag:$0x1], $0x80, v3, vm0, $0xb8;
	[tilespmem:$0x8080] =	vst v63  }
0x4a: {  	v3 =	vld [tilespmem:$0x50];
	_ =	sdelay $0x4  }
0x4b: {  	v61 =	vshll.u32 v3, $0x1  }
0x4c: {  	v3 =	vand.u32 $0x7, v3;
	v4 =	vand.u32 $0xFFFFFFF0, v61  }
0x4d: {  	v3 =	vor.u32 v3, v4  }
0x4e: {  	v4 =	vperm.xlane v3, v0;
	_ =	sdelay $0x1  }
0x4f: {  	v3 =	vperm.xlane v3, v2;
	v4 =	vadd.s32 v1, v4;
	_ =	sdelay $0x1  }
0x50: {  	v3 =	vadd.s32 v1, v3;
	_ =	sdelay $0x2  }
0x51: {  	[hbm4b:s1+s3] =	stream.indirect_vreg.scatter [tilespmem:s18], [sflag:$0x1], $0x80, v4, vm0, $0xb8;
	[tilespmem:$0x8080] =	vst v63  }
0x52: {  	_ = 	snop  }
0x53: {  	[hbm4b:s1+s3] =	stream.indirect_vreg.scatter [tilespmem:s19], [sflag:$0x1], $0x80, v3, vm0, $0xb8;
	[tilespmem:$0x8080] =	vst v63  }
0x54: {  	v3 =	vld [tilespmem:$0x60];
	_ =	sdelay $0x4  }
0x55: {  	v62 =	vshll.u32 v3, $0x1  }
0x56: {  	v3 =	vand.u32 $0x7, v3;
	v4 =	vand.u32 $0xFFFFFFF0, v62  }
0x57: {  	v3 =	vor.u32 v3, v4  }
0x58: {  	v4 =	vperm.xlane v3, v0;
	_ =	sdelay $0x1  }
0x59: {  	v3 =	vperm.xlane v3, v2;
	v4 =	vadd.s32 v1, v4;
	_ =	sdelay $0x1  }
0x5a: {  	v3 =	vadd.s32 v1, v3;
	_ =	sdelay $0x2  }
0x5b: {  	[hbm4b:s1+s3] =	stream.indirect_vreg.scatter [tilespmem:s20], [sflag:$0x1], $0x80, v4, vm0, $0xb8;
	[tilespmem:$0x8080] =	vst v63  }
0x5c: {  	_ = 	snop  }
0x5d: {  	[hbm4b:s1+s3] =	stream.indirect_vreg.scatter [tilespmem:s21], [sflag:$0x1], $0x80, v3, vm0, $0xb8;
	[tilespmem:$0x8080] =	vst v63  }
0x5e: {  	v3 =	vld [tilespmem:$0x70];
	_ =	sdelay $0x4  }
0x5f: {  	v63 =	vshll.u32 v3, $0x1  }
0x60: {  	v3 =	vand.u32 $0x7, v3;
	v4 =	vand.u32 $0xFFFFFFF0, v63  }
0x61: {  	v3 =	vor.u32 v3, v4  }
0x62: {  	v4 =	vperm.xlane v3, v0;
	_ =	sdelay $0x1  }
0x63: {  	v3 =	vperm.xlane v3, v2;
	v4 =	vadd.s32 v1, v4;
	_ =	sdelay $0x1  }
0x64: {  	v3 =	vadd.s32 v1, v3;
	_ =	sdelay $0x1  }
0x65: {  	p0 =	sne.s32 s6, $0x1  }
0x66: {  	[hbm4b:s1+s3] =	stream.indirect_vreg.scatter [tilespmem:s22], [sflag:$0x1], $0x80, v4, vm0, $0xb8;
	[tilespmem:$0x8080] =	vst v63  }
.Ltmp0:
0x67: {  	_ = 	snop;
	(pc) =	sbr.rel @p0 .LBB2_1-.Ltmp0, $4  }
0x68: {  	[hbm4b:s1+s3] =	stream.indirect_vreg.scatter [tilespmem:s23], [sflag:$0x1], $0x80, v3, vm0, $0xb8;
	[tilespmem:$0x8080] =	vst v63  }
0x69: {  	_ =	swait.ge [sflag:s24], $0x8000  }
0x6a: {  	[sflag:s24] =	ssyncset.done $0x0  }
0x6b: {  	s6 =	sadd.s32 $0xFFFFFFFF, s6;
	[sflag:s24] =	ssyncadd.s32 $0xFFFF8000  }
0x6c: {  	_ =	sfence.sel $0x180000  }
0x6d: {  	[bflag:$0x0] =	sbarrier.arrive $0xFFFF  }
0x6e: {  	p0 =	sne.s32 s2, $0x0;
	_ =	strace $0x90000047  }
0x6f: {  	s0 =	sadd.s32 @!p0 $0x100000, s0;
	[bflag:$0x2] =	sbarrier.arrive $0xFFFF  }
0x70: {  	[sflag:s0] =	ssyncadd.tile.s32 @!p0 $0x1;
	_ =	shalt  }
.Lfunc_end2:
_tile_overlayer_lowered:
.L_overlay_start_2:
0x71: {  	(tag) =	ssettag $0x2  }
0x72: {  	s0 =	rddreg [dreg:$0x0];
	s2 =	stileid.u32  }
0x73: {  	s1 =	rddreg [dreg:$0x1];
	p0 =	sne.s32 s2, $0x0  }
0x74: {  	s3 =	rddreg [dreg:$0x2];
	[bflag:$0x3] =	sbarrier.arrive $0xFFFF;
	s2 =	simm.s32 @!p0 $0x1C02  }
0x75: {  	[timem:s3], [sflag:s2] =	dma.local @!p0 [hbm:s0], s1  }
0x76: {  	s0 =	simm.s32 @!p0 $0x2  }
0x77: {  	_ =	swait.ge @!p0 [sflag:s0], s1  }
0x78: {  	s1 =	ssub.s32 @!p0 $0x0, s1;
	[sflag:s0] =	ssyncset.done @!p0 $0x0  }
0x79: {  	[sflag:s0] =	ssyncadd.s32 @!p0 s1  }
0x7a: {  	[bflag:$0x3] =	sbarrier.arrive $0xFFFF  }
0x7b: {  	_ =	shalt  }

</sc_bundles>
